<compile_context>
chip_gen: v7x
topology: tpu7x:2x2x1
jax: 0.10.2.dev20260603
libtpu: 0.0.44.dev20260713+nightly
codegen_flags: <defaults>
</compile_context>

<pallas_src>
import functools

import numpy as np

import jax
import jax.numpy as jnp
from jax import lax
from jax.experimental import pallas as pl
from jax.experimental.pallas import tpu as pltpu
from jax.experimental.pallas import tpu_sc as plsc

_NUM_RESIDUES = 100000
_NUM_MODS = 1000
_D_RES = 64
_D_MOD = 32
_D_MODEL = 128
_BATCH = 4096
_SEQ = 200
_N_TOKENS = _BATCH * _SEQ

_NC = 2
_NS = 16
_NW = _NC * _NS
_PER_W = _N_TOKENS // _NW
_CHUNK = 64
_NCHUNK = _PER_W // _CHUNK
_NBUF = 4



def _proj_res_body(r_ref, w_ref, o_ref):
    o_ref[...] = jnp.dot(r_ref[...], w_ref[...],
                         preferred_element_type=jnp.float32)


def _project_residue(table, w_res):
    blk = 2000
    grid = _NUM_RESIDUES // blk
    return pl.pallas_call(
        _proj_res_body,
        grid=(grid,),
        in_specs=[
            pl.BlockSpec((blk, _D_RES), lambda i: (i, 0)),
            pl.BlockSpec((_D_RES, _D_MODEL), lambda i: (0, 0)),
        ],
        out_specs=pl.BlockSpec((blk, _D_MODEL), lambda i: (i, 0)),
        out_shape=jax.ShapeDtypeStruct((_NUM_RESIDUES, _D_MODEL), jnp.float32),
    )(table, w_res)


def _proj_mod_body(m_ref, w_ref, b_ref, o_ref):
    o_ref[...] = (jnp.dot(m_ref[...], w_ref[...],
                          preferred_element_type=jnp.float32)
                  + b_ref[...])


def _project_mod(table, w_mod, bias):
    return pl.pallas_call(
        _proj_mod_body,
        out_shape=jax.ShapeDtypeStruct((_NUM_MODS, _D_MODEL), jnp.float32),
    )(table, w_mod, bias.reshape(1, _D_MODEL))



def _sc_body(ri_hbm, mi_hbm, rp_hbm, mp_hbm, out_hbm,
             ri_v, mi_v, rows_r, rows_m, sems_g, sems_w):
    wid = lax.axis_index("s") * _NC + lax.axis_index("c")
    base0 = wid * _PER_W

    pltpu.sync_copy(ri_hbm.at[pl.ds(base0, _PER_W)], ri_v)
    pltpu.sync_copy(mi_hbm.at[pl.ds(base0, _PER_W)], mi_v)

    def issue_gather(cur, b):
        off = cur * _CHUNK
        pltpu.async_copy(rp_hbm.at[ri_v.at[pl.ds(off, _CHUNK)]], rows_r[b], sems_g[b])
        pltpu.async_copy(mp_hbm.at[mi_v.at[pl.ds(off, _CHUNK)]], rows_m[b], sems_g[b])

    def wait_gather(cur, b):
        off = cur * _CHUNK
        pltpu.make_async_copy(rp_hbm.at[ri_v.at[pl.ds(off, _CHUNK)]], rows_r[b], sems_g[b]).wait()
        pltpu.make_async_copy(mp_hbm.at[mi_v.at[pl.ds(off, _CHUNK)]], rows_m[b], sems_g[b]).wait()

    def wait_writeback(b):
        pltpu.make_async_copy(rows_r[b], out_hbm.at[pl.ds(base0, _CHUNK)], sems_w[b]).wait()

    issue_gather(0, 0)
    issue_gather(1, 1)

    def outer(i0, carry):
        for b in range(_NBUF):
            cur = _NBUF * i0 + b
            pf = cur + 2
            pb = (b + 2) % _NBUF

            @pl.when(pf < _NCHUNK)
            def _():
                @pl.when(cur >= 2)
                def _():
                    wait_writeback(pb)
                issue_gather(pf, pb)

            wait_gather(cur, b)

            rr = rows_r[b]
            rm = rows_m[b]

            def add_row(r, c):
                for k in range(_D_MODEL // 16):
                    sl = pl.ds(16 * k, 16)
                    plsc.addupdate(rr.at[r, sl], rm[r, sl])
                return c

            lax.fori_loop(0, _CHUNK, add_row, 0, unroll=2)
            pltpu.async_copy(rr, out_hbm.at[pl.ds(base0 + cur * _CHUNK, _CHUNK)],
                             sems_w[b])
        return carry

    lax.fori_loop(0, _NCHUNK // _NBUF, outer, 0)
    for b in range(_NBUF):
        wait_writeback(b)


def _sc_gather_add(ri_flat, mi_flat, rp, mp):
    mesh = plsc.VectorSubcoreMesh(core_axis_name="c", subcore_axis_name="s")
    f = pl.kernel(
        _sc_body,
        out_type=jax.ShapeDtypeStruct((_N_TOKENS, _D_MODEL), jnp.float32),
        mesh=mesh,
        scratch_types=[
            pltpu.VMEM((_PER_W,), jnp.int32),
            pltpu.VMEM((_PER_W,), jnp.int32),
            [pltpu.VMEM((_CHUNK, _D_MODEL), jnp.float32) for _ in range(_NBUF)],
            [pltpu.VMEM((_CHUNK, _D_MODEL), jnp.float32) for _ in range(_NBUF)],
            [pltpu.SemaphoreType.DMA for _ in range(_NBUF)],
            [pltpu.SemaphoreType.DMA for _ in range(_NBUF)],
        ],
    )
    return f(ri_flat, mi_flat, rp, mp)


def kernel(residue_indices, modification_indices, residue_table,
           modification_table, proj_kernel, proj_bias):
    w_res = proj_kernel[:_D_RES]
    w_mod = proj_kernel[_D_RES:]
    rp = _project_residue(residue_table, w_res)
    mp = _project_mod(modification_table, w_mod, proj_bias)
    ri_flat = residue_indices.reshape(_N_TOKENS)
    mi_flat = modification_indices.reshape(_N_TOKENS)
    out_flat = _sc_gather_add(ri_flat, mi_flat, rp, mp)
    return out_flat.reshape(_BATCH, _SEQ, _D_MODEL)

# --- scband reference (transcript-rebuilt; emitter-appended) ---
"""Pipeline reference for scband-modified-residue-encoder-69913477644700 (READ-ONLY COPY).

The authoritative reference and input builder live on the scoring server;
editing this copy changes nothing except your own understanding.
"""

import jax, jax.numpy as jnp
import numpy as np

NUM_RESIDUES = 100000
NUM_MODIFICATIONS = 1000
DIM_RESIDUE = 64
DIM_MODIFICATION = 32
DIM_MODEL = 128
BATCH = 4096
SEQ = 200


def setup_inputs(seed: int = 0) -> dict:
    key = jax.random.key(seed)
    k1, k2, k3, k4, k5, k6 = jax.random.split(key, 6)
    residue_indices = jax.random.randint(k1, (BATCH, SEQ), 0, NUM_RESIDUES, dtype=jnp.int32)
    modification_indices = jax.random.randint(k2, (BATCH, SEQ), 0, NUM_MODIFICATIONS, dtype=jnp.int32)
    residue_table = jax.random.normal(k3, (NUM_RESIDUES, DIM_RESIDUE), dtype=jnp.float32) * 0.02
    modification_table = jax.random.normal(k4, (NUM_MODIFICATIONS, DIM_MODIFICATION), dtype=jnp.float32) * 0.02
    proj_kernel = jax.random.normal(k5, (DIM_RESIDUE + DIM_MODIFICATION, DIM_MODEL), dtype=jnp.float32) * (1.0 / np.sqrt(DIM_RESIDUE + DIM_MODIFICATION))
    proj_bias = jnp.zeros((DIM_MODEL,), dtype=jnp.float32)
    return {
        "residue_indices": residue_indices,
        "modification_indices": modification_indices,
        "residue_table": residue_table,
        "modification_table": modification_table,
        "proj_kernel": proj_kernel,
        "proj_bias": proj_bias,
    }


def reference(residue_indices, modification_indices, residue_table, modification_table, proj_kernel, proj_bias):
    # embedding lookups (gathers)
    residue_embeddings = jnp.take(residue_table, residue_indices, axis=0)
    modification_embeddings = jnp.take(modification_table, modification_indices, axis=0)
    # concat along feature dim
    combined = jnp.concatenate([residue_embeddings, modification_embeddings], axis=-1)
    # linear projection: x @ kernel + bias
    out = jnp.einsum("bsd,dm->bsm", combined, proj_kernel) + proj_bias
    return out

if __name__ == "__main__":
    import jax
    _d = setup_inputs()
    print(jax.jit(kernel)(*tuple(_d.values())))

</pallas_src>

<mosaic_0001>
#map = affine_map<(d0, d1) -> (0)>
#map1 = affine_map<(d0, d1) -> (0, 0)>
module attributes {stable_mosaic.version = 14 : i64} {
  func.func @_sc_body(%arg0: i32, %arg1: i32, %arg2: memref<819200xi32, #tpu.memory_space<hbm>>, %arg3: memref<819200xi32, #tpu.memory_space<hbm>>, %arg4: memref<100000x128xf32, #tpu.memory_space<hbm>>, %arg5: memref<1000x128xf32, #tpu.memory_space<hbm>>, %arg6: memref<819200x128xf32, #tpu.memory_space<hbm>>, %arg7: memref<25600xi32, #tpu.memory_space<vmem>>, %arg8: memref<25600xi32, #tpu.memory_space<vmem>>, %arg9: memref<64x128xf32, #tpu.memory_space<vmem>>, %arg10: memref<64x128xf32, #tpu.memory_space<vmem>>, %arg11: memref<64x128xf32, #tpu.memory_space<vmem>>, %arg12: memref<64x128xf32, #tpu.memory_space<vmem>>, %arg13: memref<64x128xf32, #tpu.memory_space<vmem>>, %arg14: memref<64x128xf32, #tpu.memory_space<vmem>>, %arg15: memref<64x128xf32, #tpu.memory_space<vmem>>, %arg16: memref<64x128xf32, #tpu.memory_space<vmem>>, %arg17: memref<!tpu.dma_semaphore, #tpu.memory_space<semaphore_mem>>, %arg18: memref<!tpu.dma_semaphore, #tpu.memory_space<semaphore_mem>>, %arg19: memref<!tpu.dma_semaphore, #tpu.memory_space<semaphore_mem>>, %arg20: memref<!tpu.dma_semaphore, #tpu.memory_space<semaphore_mem>>, %arg21: memref<!tpu.dma_semaphore, #tpu.memory_space<semaphore_mem>>, %arg22: memref<!tpu.dma_semaphore, #tpu.memory_space<semaphore_mem>>, %arg23: memref<!tpu.dma_semaphore, #tpu.memory_space<semaphore_mem>>, %arg24: memref<!tpu.dma_semaphore, #tpu.memory_space<semaphore_mem>>) attributes {dimension_semantics = [#tpu.dimension_semantics<core_parallel>, #tpu.dimension_semantics<subcore_parallel>], iteration_bounds = array<i64: 2, 16>, scalar_prefetch = 0 : i64, scratch_operands = 18 : i64, tpu.core_type = #tpu.core_type<sc_vector_subcore>, window_params = [{transform_indices = #map}, {transform_indices = #map}, {transform_indices = #map1}, {transform_indices = #map1}, {transform_indices = #map1}]} {
    %mul3A = arith.constant 2 : i32
    %mul3A_0 = arith.muli %arg1, %mul3A : i32
    %add3A = arith.addi %mul3A_0, %arg0 : i32
    %mul3A_1 = arith.constant 25600 : i32
    %mul3A_2 = arith.muli %add3A, %mul3A_1 : i32
    "tpu.region"() ({
      %run_scoped3A = tpu.sem_alloc : memref<!tpu.dma_semaphore, #tpu.memory_space<semaphore_mem>>
      %dma_start3A_42 = tpu.memref_slice %arg2[%mul3A_2] : memref<819200xi32, #tpu.memory_space<hbm>> -> memref<25600xi32, #tpu.memory_space<hbm>>
      %dma_start3A_43 = tpu.memref_slice %arg2[%mul3A_2] : memref<819200xi32, #tpu.memory_space<hbm>> -> memref<25600xi32, #tpu.memory_space<hbm>>
      tpu.enqueue_dma source(%dma_start3A_43 : memref<25600xi32, #tpu.memory_space<hbm>>) target(%arg7 : memref<25600xi32, #tpu.memory_space<vmem>>) target_semaphore(%run_scoped3A : memref<!tpu.dma_semaphore, #tpu.memory_space<semaphore_mem>>)
      %dma_wait3A_44 = tpu.memref_slice %arg2[%mul3A_2] : memref<819200xi32, #tpu.memory_space<hbm>> -> memref<25600xi32, #tpu.memory_space<hbm>>
      %dma_wait3A_45 = tpu.memref_slice %arg2[%mul3A_2] : memref<819200xi32, #tpu.memory_space<hbm>> -> memref<25600xi32, #tpu.memory_space<hbm>>
      tpu.wait_dma2 semaphore(%run_scoped3A : memref<!tpu.dma_semaphore, #tpu.memory_space<semaphore_mem>>) src(%dma_wait3A_45 : memref<25600xi32, #tpu.memory_space<hbm>>) dst(%arg7 : memref<25600xi32, #tpu.memory_space<vmem>>)
      tpu.yield
    }) : () -> ()
    "tpu.region"() ({
      %run_scoped3A = tpu.sem_alloc : memref<!tpu.dma_semaphore, #tpu.memory_space<semaphore_mem>>
      %dma_start3A_42 = tpu.memref_slice %arg3[%mul3A_2] : memref<819200xi32, #tpu.memory_space<hbm>> -> memref<25600xi32, #tpu.memory_space<hbm>>
      %dma_start3A_43 = tpu.memref_slice %arg3[%mul3A_2] : memref<819200xi32, #tpu.memory_space<hbm>> -> memref<25600xi32, #tpu.memory_space<hbm>>
      tpu.enqueue_dma source(%dma_start3A_43 : memref<25600xi32, #tpu.memory_space<hbm>>) target(%arg8 : memref<25600xi32, #tpu.memory_space<vmem>>) target_semaphore(%run_scoped3A : memref<!tpu.dma_semaphore, #tpu.memory_space<semaphore_mem>>)
      %dma_wait3A_44 = tpu.memref_slice %arg3[%mul3A_2] : memref<819200xi32, #tpu.memory_space<hbm>> -> memref<25600xi32, #tpu.memory_space<hbm>>
      %dma_wait3A_45 = tpu.memref_slice %arg3[%mul3A_2] : memref<819200xi32, #tpu.memory_space<hbm>> -> memref<25600xi32, #tpu.memory_space<hbm>>
      tpu.wait_dma2 semaphore(%run_scoped3A : memref<!tpu.dma_semaphore, #tpu.memory_space<semaphore_mem>>) src(%dma_wait3A_45 : memref<25600xi32, #tpu.memory_space<hbm>>) dst(%arg8 : memref<25600xi32, #tpu.memory_space<vmem>>)
      tpu.yield
    }) : () -> ()
    %dma_start3A = arith.constant 0 : i32
    %dma_start3A_3 = tpu.memref_slice %arg7[%dma_start3A] : memref<25600xi32, #tpu.memory_space<vmem>> -> memref<64xi32, #tpu.memory_space<vmem>>
    %dma_start3A_4 = arith.constant 0 : i32
    %dma_start3A_5 = arith.constant 0 : i32
    %dma_start3A_6 = tpu.memref_slice %arg4[%dma_start3A_4, %dma_start3A_5] : memref<100000x128xf32, #tpu.memory_space<hbm>> -> memref<100000x128xf32, #tpu.memory_space<hbm>>
    tpu.enqueue_indirect_dma source(%dma_start3A_6 : memref<100000x128xf32, #tpu.memory_space<hbm>>) target(%arg9 : memref<64x128xf32, #tpu.memory_space<vmem>>) offsets(%dma_start3A_3 : memref<64xi32, #tpu.memory_space<vmem>>) semaphore(%arg17 : memref<!tpu.dma_semaphore, #tpu.memory_space<semaphore_mem>>)
    %dma_start3A_7 = arith.constant 0 : i32
    %dma_start3A_8 = tpu.memref_slice %arg8[%dma_start3A_7] : memref<25600xi32, #tpu.memory_space<vmem>> -> memref<64xi32, #tpu.memory_space<vmem>>
    %dma_start3A_9 = arith.constant 0 : i32
    %dma_start3A_10 = arith.constant 0 : i32
    %dma_start3A_11 = tpu.memref_slice %arg5[%dma_start3A_9, %dma_start3A_10] : memref<1000x128xf32, #tpu.memory_space<hbm>> -> memref<1000x128xf32, #tpu.memory_space<hbm>>
    tpu.enqueue_indirect_dma source(%dma_start3A_11 : memref<1000x128xf32, #tpu.memory_space<hbm>>) target(%arg13 : memref<64x128xf32, #tpu.memory_space<vmem>>) offsets(%dma_start3A_8 : memref<64xi32, #tpu.memory_space<vmem>>) semaphore(%arg17 : memref<!tpu.dma_semaphore, #tpu.memory_space<semaphore_mem>>)
    %dma_start3A_12 = arith.constant 64 : i32
    %dma_start3A_13 = tpu.memref_slice %arg7[%dma_start3A_12] : memref<25600xi32, #tpu.memory_space<vmem>> -> memref<64xi32, #tpu.memory_space<vmem>>
    %dma_start3A_14 = arith.constant 0 : i32
    %dma_start3A_15 = arith.constant 0 : i32
    %dma_start3A_16 = tpu.memref_slice %arg4[%dma_start3A_14, %dma_start3A_15] : memref<100000x128xf32, #tpu.memory_space<hbm>> -> memref<100000x128xf32, #tpu.memory_space<hbm>>
    tpu.enqueue_indirect_dma source(%dma_start3A_16 : memref<100000x128xf32, #tpu.memory_space<hbm>>) target(%arg10 : memref<64x128xf32, #tpu.memory_space<vmem>>) offsets(%dma_start3A_13 : memref<64xi32, #tpu.memory_space<vmem>>) semaphore(%arg18 : memref<!tpu.dma_semaphore, #tpu.memory_space<semaphore_mem>>)
    %dma_start3A_17 = arith.constant 64 : i32
    %dma_start3A_18 = tpu.memref_slice %arg8[%dma_start3A_17] : memref<25600xi32, #tpu.memory_space<vmem>> -> memref<64xi32, #tpu.memory_space<vmem>>
    %dma_start3A_19 = arith.constant 0 : i32
    %dma_start3A_20 = arith.constant 0 : i32
    %dma_start3A_21 = tpu.memref_slice %arg5[%dma_start3A_19, %dma_start3A_20] : memref<1000x128xf32, #tpu.memory_space<hbm>> -> memref<1000x128xf32, #tpu.memory_space<hbm>>
    tpu.enqueue_indirect_dma source(%dma_start3A_21 : memref<1000x128xf32, #tpu.memory_space<hbm>>) target(%arg14 : memref<64x128xf32, #tpu.memory_space<vmem>>) offsets(%dma_start3A_18 : memref<64xi32, #tpu.memory_space<vmem>>) semaphore(%arg18 : memref<!tpu.dma_semaphore, #tpu.memory_space<semaphore_mem>>)
    %scan3A = arith.constant 0 : i32
    %scan3A_22 = arith.constant 0 : i32
    %scan3A_23 = arith.constant 100 : i32
    %scan3A_24 = arith.addi %scan3A_22, %scan3A_23 : i32
    %scan3A_25 = arith.constant 1 : i32
    scf.for %scan3A_42 = %scan3A_22 to %scan3A_24 step %scan3A_25  : i32 {
      %mul3A_43 = arith.constant 4 : i32
      %mul3A_44 = arith.muli %mul3A_43, %scan3A_42 : i32
      %add3A_45 = arith.constant 0 : i32
      %add3A_46 = arith.addi %mul3A_44, %add3A_45 : i32
      %add3A_47 = arith.constant 2 : i32
      %add3A_48 = arith.addi %add3A_46, %add3A_47 : i32
      %lt3A = arith.constant 400 : i32
      %lt3A_49 = arith.cmpi slt, %add3A_48, %lt3A : i32
      %convert_element_type3A = arith.extui %lt3A_49 : i1 to i32
      %cond3A = arith.constant 0 : i32
      %cond3A_50 = arith.cmpi ne, %convert_element_type3A, %cond3A : i32
      scf.if %cond3A_50 {
        %ge3A = arith.constant 2 : i32
        %ge3A_176 = arith.cmpi sge, %add3A_46, %ge3A : i32
        %convert_element_type3A_177 = arith.extui %ge3A_176 : i1 to i32
        %cond3A_178 = arith.constant 0 : i32
        %cond3A_179 = arith.cmpi ne, %convert_element_type3A_177, %cond3A_178 : i32
        scf.if %cond3A_179 {
          %dma_wait3A_190 = arith.constant 0 : i32
          %dma_wait3A_191 = tpu.memref_slice %arg6[%mul3A_2, %dma_wait3A_190] : memref<819200x128xf32, #tpu.memory_space<hbm>> -> memref<64x128xf32, #tpu.memory_space<hbm>>
          %dma_wait3A_192 = arith.constant 0 : i32
          %dma_wait3A_193 = tpu.memref_slice %arg6[%mul3A_2, %dma_wait3A_192] : memref<819200x128xf32, #tpu.memory_space<hbm>> -> memref<64x128xf32, #tpu.memory_space<hbm>>
          tpu.wait_dma2 semaphore(%arg23 : memref<!tpu.dma_semaphore, #tpu.memory_space<semaphore_mem>>) src(%arg11 : memref<64x128xf32, #tpu.memory_space<vmem>>) dst(%dma_wait3A_193 : memref<64x128xf32, #tpu.memory_space<hbm>>)
        } else {
        }
        %mul3A_180 = arith.constant 64 : i32
        %mul3A_181 = arith.muli %add3A_48, %mul3A_180 : i32
        %dma_start3A_182 = tpu.memref_slice %arg7[%mul3A_181] : memref<25600xi32, #tpu.memory_space<vmem>> -> memref<64xi32, #tpu.memory_space<vmem>>
        %dma_start3A_183 = arith.constant 0 : i32
        %dma_start3A_184 = arith.constant 0 : i32
        %dma_start3A_185 = tpu.memref_slice %arg4[%dma_start3A_183, %dma_start3A_184] : memref<100000x128xf32, #tpu.memory_space<hbm>> -> memref<100000x128xf32, #tpu.memory_space<hbm>>
        tpu.enqueue_indirect_dma source(%dma_start3A_185 : memref<100000x128xf32, #tpu.memory_space<hbm>>) target(%arg11 : memref<64x128xf32, #tpu.memory_space<vmem>>) offsets(%dma_start3A_182 : memref<64xi32, #tpu.memory_space<vmem>>) semaphore(%arg19 : memref<!tpu.dma_semaphore, #tpu.memory_space<semaphore_mem>>)
        %dma_start3A_186 = tpu.memref_slice %arg8[%mul3A_181] : memref<25600xi32, #tpu.memory_space<vmem>> -> memref<64xi32, #tpu.memory_space<vmem>>
        %dma_start3A_187 = arith.constant 0 : i32
        %dma_start3A_188 = arith.constant 0 : i32
        %dma_start3A_189 = tpu.memref_slice %arg5[%dma_start3A_187, %dma_start3A_188] : memref<1000x128xf32, #tpu.memory_space<hbm>> -> memref<1000x128xf32, #tpu.memory_space<hbm>>
        tpu.enqueue_indirect_dma source(%dma_start3A_189 : memref<1000x128xf32, #tpu.memory_space<hbm>>) target(%arg15 : memref<64x128xf32, #tpu.memory_space<vmem>>) offsets(%dma_start3A_186 : memref<64xi32, #tpu.memory_space<vmem>>) semaphore(%arg19 : memref<!tpu.dma_semaphore, #tpu.memory_space<semaphore_mem>>)
      } else {
      }
      %mul3A_51 = arith.constant 64 : i32
      %mul3A_52 = arith.muli %add3A_46, %mul3A_51 : i32
      %dma_wait3A_53 = tpu.memref_slice %arg7[%mul3A_52] : memref<25600xi32, #tpu.memory_space<vmem>> -> memref<64xi32, #tpu.memory_space<vmem>>
      %dma_wait3A_54 = arith.constant 0 : i32
      %dma_wait3A_55 = arith.constant 0 : i32
      %dma_wait3A_56 = tpu.memref_slice %arg4[%dma_wait3A_54, %dma_wait3A_55] : memref<100000x128xf32, #tpu.memory_space<hbm>> -> memref<100000x128xf32, #tpu.memory_space<hbm>>
      tpu.wait_indirect_dma semaphore(%arg17 : memref<!tpu.dma_semaphore, #tpu.memory_space<semaphore_mem>>) src(%dma_wait3A_56 : memref<100000x128xf32, #tpu.memory_space<hbm>>) dst(%arg9 : memref<64x128xf32, #tpu.memory_space<vmem>>)
      %dma_wait3A_57 = tpu.memref_slice %arg8[%mul3A_52] : memref<25600xi32, #tpu.memory_space<vmem>> -> memref<64xi32, #tpu.memory_space<vmem>>
      %dma_wait3A_58 = arith.constant 0 : i32
      %dma_wait3A_59 = arith.constant 0 : i32
      %dma_wait3A_60 = tpu.memref_slice %arg5[%dma_wait3A_58, %dma_wait3A_59] : memref<1000x128xf32, #tpu.memory_space<hbm>> -> memref<1000x128xf32, #tpu.memory_space<hbm>>
      tpu.wait_indirect_dma semaphore(%arg17 : memref<!tpu.dma_semaphore, #tpu.memory_space<semaphore_mem>>) src(%dma_wait3A_60 : memref<1000x128xf32, #tpu.memory_space<hbm>>) dst(%arg13 : memref<64x128xf32, #tpu.memory_space<vmem>>)
      %scan3A_61 = arith.constant 0 : i32
      %scan3A_62 = arith.constant 0 : i32
      %scan3A_63 = arith.constant 64 : i32
      %scan3A_64 = arith.addi %scan3A_62, %scan3A_63 : i32
      %scan3A_65 = arith.constant 2 : i32
      scf.for %scan3A_176 = %scan3A_62 to %scan3A_64 step %scan3A_65  : i32 {
        %get3A = arith.index_cast %scan3A_176 : i32 to index
        %get3A_177 = arith.constant 0 : index
        %get3A_178 = tpu.vector_load %arg13[%get3A, %get3A_177] {strides = array<i32>} : memref<64x128xf32, #tpu.memory_space<vmem>>, vector<1x16xf32>,
        %get3A_179 = vector.shape_cast %get3A_178 : vector<1x16xf32> to vector<16xf32>
        %swap3A = arith.index_cast %scan3A_176 : i32 to index
        %swap3A_180 = arith.constant 0 : index
        %swap3A_181 = tpu.vector_load %arg9[%swap3A, %swap3A_180] {strides = array<i32>} : memref<64x128xf32, #tpu.memory_space<vmem>>, vector<1x16xf32>,
        %swap3A_182 = vector.shape_cast %swap3A_181 : vector<1x16xf32> to vector<16xf32>
        %swap3A_183 = vector.shape_cast %get3A_179 : vector<16xf32> to vector<1x16xf32>
        tpu.vector_store %arg9[%swap3A, %swap3A_180], %swap3A_183 {add = true, strides = array<i32>} : memref<64x128xf32, #tpu.memory_space<vmem>>, vector<1x16xf32>,
        %get3A_184 = arith.index_cast %scan3A_176 : i32 to index
        %get3A_185 = arith.constant 16 : index
        %get3A_186 = tpu.vector_load %arg13[%get3A_184, %get3A_185] {strides = array<i32>} : memref<64x128xf32, #tpu.memory_space<vmem>>, vector<1x16xf32>,
        %get3A_187 = vector.shape_cast %get3A_186 : vector<1x16xf32> to vector<16xf32>
        %swap3A_188 = arith.index_cast %scan3A_176 : i32 to index
        %swap3A_189 = arith.constant 16 : index
        %swap3A_190 = tpu.vector_load %arg9[%swap3A_188, %swap3A_189] {strides = array<i32>} : memref<64x128xf32, #tpu.memory_space<vmem>>, vector<1x16xf32>,
        %swap3A_191 = vector.shape_cast %swap3A_190 : vector<1x16xf32> to vector<16xf32>
        %swap3A_192 = vector.shape_cast %get3A_187 : vector<16xf32> to vector<1x16xf32>
        tpu.vector_store %arg9[%swap3A_188, %swap3A_189], %swap3A_192 {add = true, strides = array<i32>} : memref<64x128xf32, #tpu.memory_space<vmem>>, vector<1x16xf32>,
        %get3A_193 = arith.index_cast %scan3A_176 : i32 to index
        %get3A_194 = arith.constant 32 : index
        %get3A_195 = tpu.vector_load %arg13[%get3A_193, %get3A_194] {strides = array<i32>} : memref<64x128xf32, #tpu.memory_space<vmem>>, vector<1x16xf32>,
        %get3A_196 = vector.shape_cast %get3A_195 : vector<1x16xf32> to vector<16xf32>
        %swap3A_197 = arith.index_cast %scan3A_176 : i32 to index
        %swap3A_198 = arith.constant 32 : index
        %swap3A_199 = tpu.vector_load %arg9[%swap3A_197, %swap3A_198] {strides = array<i32>} : memref<64x128xf32, #tpu.memory_space<vmem>>, vector<1x16xf32>,
        %swap3A_200 = vector.shape_cast %swap3A_199 : vector<1x16xf32> to vector<16xf32>
        %swap3A_201 = vector.shape_cast %get3A_196 : vector<16xf32> to vector<1x16xf32>
        tpu.vector_store %arg9[%swap3A_197, %swap3A_198], %swap3A_201 {add = true, strides = array<i32>} : memref<64x128xf32, #tpu.memory_space<vmem>>, vector<1x16xf32>,
        %get3A_202 = arith.index_cast %scan3A_176 : i32 to index
        %get3A_203 = arith.constant 48 : index
        %get3A_204 = tpu.vector_load %arg13[%get3A_202, %get3A_203] {strides = array<i32>} : memref<64x128xf32, #tpu.memory_space<vmem>>, vector<1x16xf32>,
        %get3A_205 = vector.shape_cast %get3A_204 : vector<1x16xf32> to vector<16xf32>
        %swap3A_206 = arith.index_cast %scan3A_176 : i32 to index
        %swap3A_207 = arith.constant 48 : index
        %swap3A_208 = tpu.vector_load %arg9[%swap3A_206, %swap3A_207] {strides = array<i32>} : memref<64x128xf32, #tpu.memory_space<vmem>>, vector<1x16xf32>,
        %swap3A_209 = vector.shape_cast %swap3A_208 : vector<1x16xf32> to vector<16xf32>
        %swap3A_210 = vector.shape_cast %get3A_205 : vector<16xf32> to vector<1x16xf32>
        tpu.vector_store %arg9[%swap3A_206, %swap3A_207], %swap3A_210 {add = true, strides = array<i32>} : memref<64x128xf32, #tpu.memory_space<vmem>>, vector<1x16xf32>,
        %get3A_211 = arith.index_cast %scan3A_176 : i32 to index
        %get3A_212 = arith.constant 64 : index
        %get3A_213 = tpu.vector_load %arg13[%get3A_211, %get3A_212] {strides = array<i32>} : memref<64x128xf32, #tpu.memory_space<vmem>>, vector<1x16xf32>,
        %get3A_214 = vector.shape_cast %get3A_213 : vector<1x16xf32> to vector<16xf32>
        %swap3A_215 = arith.index_cast %scan3A_176 : i32 to index
        %swap3A_216 = arith.constant 64 : index
        %swap3A_217 = tpu.vector_load %arg9[%swap3A_215, %swap3A_216] {strides = array<i32>} : memref<64x128xf32, #tpu.memory_space<vmem>>, vector<1x16xf32>,
        %swap3A_218 = vector.shape_cast %swap3A_217 : vector<1x16xf32> to vector<16xf32>
        %swap3A_219 = vector.shape_cast %get3A_214 : vector<16xf32> to vector<1x16xf32>
        tpu.vector_store %arg9[%swap3A_215, %swap3A_216], %swap3A_219 {add = true, strides = array<i32>} : memref<64x128xf32, #tpu.memory_space<vmem>>, vector<1x16xf32>,
        %get3A_220 = arith.index_cast %scan3A_176 : i32 to index
        %get3A_221 = arith.constant 80 : index
        %get3A_222 = tpu.vector_load %arg13[%get3A_220, %get3A_221] {strides = array<i32>} : memref<64x128xf32, #tpu.memory_space<vmem>>, vector<1x16xf32>,
        %get3A_223 = vector.shape_cast %get3A_222 : vector<1x16xf32> to vector<16xf32>
        %swap3A_224 = arith.index_cast %scan3A_176 : i32 to index
        %swap3A_225 = arith.constant 80 : index
        %swap3A_226 = tpu.vector_load %arg9[%swap3A_224, %swap3A_225] {strides = array<i32>} : memref<64x128xf32, #tpu.memory_space<vmem>>, vector<1x16xf32>,
        %swap3A_227 = vector.shape_cast %swap3A_226 : vector<1x16xf32> to vector<16xf32>
        %swap3A_228 = vector.shape_cast %get3A_223 : vector<16xf32> to vector<1x16xf32>
        tpu.vector_store %arg9[%swap3A_224, %swap3A_225], %swap3A_228 {add = true, strides = array<i32>} : memref<64x128xf32, #tpu.memory_space<vmem>>, vector<1x16xf32>,
        %get3A_229 = arith.index_cast %scan3A_176 : i32 to index
        %get3A_230 = arith.constant 96 : index
        %get3A_231 = tpu.vector_load %arg13[%get3A_229, %get3A_230] {strides = array<i32>} : memref<64x128xf32, #tpu.memory_space<vmem>>, vector<1x16xf32>,
        %get3A_232 = vector.shape_cast %get3A_231 : vector<1x16xf32> to vector<16xf32>
        %swap3A_233 = arith.index_cast %scan3A_176 : i32 to index
        %swap3A_234 = arith.constant 96 : index
        %swap3A_235 = tpu.vector_load %arg9[%swap3A_233, %swap3A_234] {strides = array<i32>} : memref<64x128xf32, #tpu.memory_space<vmem>>, vector<1x16xf32>,
        %swap3A_236 = vector.shape_cast %swap3A_235 : vector<1x16xf32> to vector<16xf32>
        %swap3A_237 = vector.shape_cast %get3A_232 : vector<16xf32> to vector<1x16xf32>
        tpu.vector_store %arg9[%swap3A_233, %swap3A_234], %swap3A_237 {add = true, strides = array<i32>} : memref<64x128xf32, #tpu.memory_space<vmem>>, vector<1x16xf32>,
        %get3A_238 = arith.index_cast %scan3A_176 : i32 to index
        %get3A_239 = arith.constant 112 : index
        %get3A_240 = tpu.vector_load %arg13[%get3A_238, %get3A_239] {strides = array<i32>} : memref<64x128xf32, #tpu.memory_space<vmem>>, vector<1x16xf32>,
        %get3A_241 = vector.shape_cast %get3A_240 : vector<1x16xf32> to vector<16xf32>
        %swap3A_242 = arith.index_cast %scan3A_176 : i32 to index
        %swap3A_243 = arith.constant 112 : index
        %swap3A_244 = tpu.vector_load %arg9[%swap3A_242, %swap3A_243] {strides = array<i32>} : memref<64x128xf32, #tpu.memory_space<vmem>>, vector<1x16xf32>,
        %swap3A_245 = vector.shape_cast %swap3A_244 : vector<1x16xf32> to vector<16xf32>
        %swap3A_246 = vector.shape_cast %get3A_241 : vector<16xf32> to vector<1x16xf32>
        tpu.vector_store %arg9[%swap3A_242, %swap3A_243], %swap3A_246 {add = true, strides = array<i32>} : memref<64x128xf32, #tpu.memory_space<vmem>>, vector<1x16xf32>,
        %scan3A_247 = arith.constant 1 : i32
        %scan3A_248 = arith.addi %scan3A_176, %scan3A_247 : i32
        %get3A_249 = arith.index_cast %scan3A_248 : i32 to index
        %get3A_250 = arith.constant 0 : index
        %get3A_251 = tpu.vector_load %arg13[%get3A_249, %get3A_250] {strides = array<i32>} : memref<64x128xf32, #tpu.memory_space<vmem>>, vector<1x16xf32>,
        %get3A_252 = vector.shape_cast %get3A_251 : vector<1x16xf32> to vector<16xf32>
        %swap3A_253 = arith.index_cast %scan3A_248 : i32 to index
        %swap3A_254 = arith.constant 0 : index
        %swap3A_255 = tpu.vector_load %arg9[%swap3A_253, %swap3A_254] {strides = array<i32>} : memref<64x128xf32, #tpu.memory_space<vmem>>, vector<1x16xf32>,
        %swap3A_256 = vector.shape_cast %swap3A_255 : vector<1x16xf32> to vector<16xf32>
        %swap3A_257 = vector.shape_cast %get3A_252 : vector<16xf32> to vector<1x16xf32>
        tpu.vector_store %arg9[%swap3A_253, %swap3A_254], %swap3A_257 {add = true, strides = array<i32>} : memref<64x128xf32, #tpu.memory_space<vmem>>, vector<1x16xf32>,
        %get3A_258 = arith.index_cast %scan3A_248 : i32 to index
        %get3A_259 = arith.constant 16 : index
        %get3A_260 = tpu.vector_load %arg13[%get3A_258, %get3A_259] {strides = array<i32>} : memref<64x128xf32, #tpu.memory_space<vmem>>, vector<1x16xf32>,
        %get3A_261 = vector.shape_cast %get3A_260 : vector<1x16xf32> to vector<16xf32>
        %swap3A_262 = arith.index_cast %scan3A_248 : i32 to index
        %swap3A_263 = arith.constant 16 : index
        %swap3A_264 = tpu.vector_load %arg9[%swap3A_262, %swap3A_263] {strides = array<i32>} : memref<64x128xf32, #tpu.memory_space<vmem>>, vector<1x16xf32>,
        %swap3A_265 = vector.shape_cast %swap3A_264 : vector<1x16xf32> to vector<16xf32>
        %swap3A_266 = vector.shape_cast %get3A_261 : vector<16xf32> to vector<1x16xf32>
        tpu.vector_store %arg9[%swap3A_262, %swap3A_263], %swap3A_266 {add = true, strides = array<i32>} : memref<64x128xf32, #tpu.memory_space<vmem>>, vector<1x16xf32>,
        %get3A_267 = arith.index_cast %scan3A_248 : i32 to index
        %get3A_268 = arith.constant 32 : index
        %get3A_269 = tpu.vector_load %arg13[%get3A_267, %get3A_268] {strides = array<i32>} : memref<64x128xf32, #tpu.memory_space<vmem>>, vector<1x16xf32>,
        %get3A_270 = vector.shape_cast %get3A_269 : vector<1x16xf32> to vector<16xf32>
        %swap3A_271 = arith.index_cast %scan3A_248 : i32 to index
        %swap3A_272 = arith.constant 32 : index
        %swap3A_273 = tpu.vector_load %arg9[%swap3A_271, %swap3A_272] {strides = array<i32>} : memref<64x128xf32, #tpu.memory_space<vmem>>, vector<1x16xf32>,
        %swap3A_274 = vector.shape_cast %swap3A_273 : vector<1x16xf32> to vector<16xf32>
        %swap3A_275 = vector.shape_cast %get3A_270 : vector<16xf32> to vector<1x16xf32>
        tpu.vector_store %arg9[%swap3A_271, %swap3A_272], %swap3A_275 {add = true, strides = array<i32>} : memref<64x128xf32, #tpu.memory_space<vmem>>, vector<1x16xf32>,
        %get3A_276 = arith.index_cast %scan3A_248 : i32 to index
        %get3A_277 = arith.constant 48 : index
        %get3A_278 = tpu.vector_load %arg13[%get3A_276, %get3A_277] {strides = array<i32>} : memref<64x128xf32, #tpu.memory_space<vmem>>, vector<1x16xf32>,
        %get3A_279 = vector.shape_cast %get3A_278 : vector<1x16xf32> to vector<16xf32>
        %swap3A_280 = arith.index_cast %scan3A_248 : i32 to index
        %swap3A_281 = arith.constant 48 : index
        %swap3A_282 = tpu.vector_load %arg9[%swap3A_280, %swap3A_281] {strides = array<i32>} : memref<64x128xf32, #tpu.memory_space<vmem>>, vector<1x16xf32>,
        %swap3A_283 = vector.shape_cast %swap3A_282 : vector<1x16xf32> to vector<16xf32>
        %swap3A_284 = vector.shape_cast %get3A_279 : vector<16xf32> to vector<1x16xf32>
        tpu.vector_store %arg9[%swap3A_280, %swap3A_281], %swap3A_284 {add = true, strides = array<i32>} : memref<64x128xf32, #tpu.memory_space<vmem>>, vector<1x16xf32>,
        %get3A_285 = arith.index_cast %scan3A_248 : i32 to index
        %get3A_286 = arith.constant 64 : index
        %get3A_287 = tpu.vector_load %arg13[%get3A_285, %get3A_286] {strides = array<i32>} : memref<64x128xf32, #tpu.memory_space<vmem>>, vector<1x16xf32>,
        %get3A_288 = vector.shape_cast %get3A_287 : vector<1x16xf32> to vector<16xf32>
        %swap3A_289 = arith.index_cast %scan3A_248 : i32 to index
        %swap3A_290 = arith.constant 64 : index
        %swap3A_291 = tpu.vector_load %arg9[%swap3A_289, %swap3A_290] {strides = array<i32>} : memref<64x128xf32, #tpu.memory_space<vmem>>, vector<1x16xf32>,
        %swap3A_292 = vector.shape_cast %swap3A_291 : vector<1x16xf32> to vector<16xf32>
        %swap3A_293 = vector.shape_cast %get3A_288 : vector<16xf32> to vector<1x16xf32>
        tpu.vector_store %arg9[%swap3A_289, %swap3A_290], %swap3A_293 {add = true, strides = array<i32>} : memref<64x128xf32, #tpu.memory_space<vmem>>, vector<1x16xf32>,
        %get3A_294 = arith.index_cast %scan3A_248 : i32 to index
        %get3A_295 = arith.constant 80 : index
        %get3A_296 = tpu.vector_load %arg13[%get3A_294, %get3A_295] {strides = array<i32>} : memref<64x128xf32, #tpu.memory_space<vmem>>, vector<1x16xf32>,
        %get3A_297 = vector.shape_cast %get3A_296 : vector<1x16xf32> to vector<16xf32>
        %swap3A_298 = arith.index_cast %scan3A_248 : i32 to index
        %swap3A_299 = arith.constant 80 : index
        %swap3A_300 = tpu.vector_load %arg9[%swap3A_298, %swap3A_299] {strides = array<i32>} : memref<64x128xf32, #tpu.memory_space<vmem>>, vector<1x16xf32>,
        %swap3A_301 = vector.shape_cast %swap3A_300 : vector<1x16xf32> to vector<16xf32>
        %swap3A_302 = vector.shape_cast %get3A_297 : vector<16xf32> to vector<1x16xf32>
        tpu.vector_store %arg9[%swap3A_298, %swap3A_299], %swap3A_302 {add = true, strides = array<i32>} : memref<64x128xf32, #tpu.memory_space<vmem>>, vector<1x16xf32>,
        %get3A_303 = arith.index_cast %scan3A_248 : i32 to index
        %get3A_304 = arith.constant 96 : index
        %get3A_305 = tpu.vector_load %arg13[%get3A_303, %get3A_304] {strides = array<i32>} : memref<64x128xf32, #tpu.memory_space<vmem>>, vector<1x16xf32>,
        %get3A_306 = vector.shape_cast %get3A_305 : vector<1x16xf32> to vector<16xf32>
        %swap3A_307 = arith.index_cast %scan3A_248 : i32 to index
        %swap3A_308 = arith.constant 96 : index
        %swap3A_309 = tpu.vector_load %arg9[%swap3A_307, %swap3A_308] {strides = array<i32>} : memref<64x128xf32, #tpu.memory_space<vmem>>, vector<1x16xf32>,
        %swap3A_310 = vector.shape_cast %swap3A_309 : vector<1x16xf32> to vector<16xf32>
        %swap3A_311 = vector.shape_cast %get3A_306 : vector<16xf32> to vector<1x16xf32>
        tpu.vector_store %arg9[%swap3A_307, %swap3A_308], %swap3A_311 {add = true, strides = array<i32>} : memref<64x128xf32, #tpu.memory_space<vmem>>, vector<1x16xf32>,
        %get3A_312 = arith.index_cast %scan3A_248 : i32 to index
        %get3A_313 = arith.constant 112 : index
        %get3A_314 = tpu.vector_load %arg13[%get3A_312, %get3A_313] {strides = array<i32>} : memref<64x128xf32, #tpu.memory_space<vmem>>, vector<1x16xf32>,
        %get3A_315 = vector.shape_cast %get3A_314 : vector<1x16xf32> to vector<16xf32>
        %swap3A_316 = arith.index_cast %scan3A_248 : i32 to index
        %swap3A_317 = arith.constant 112 : index
        %swap3A_318 = tpu.vector_load %arg9[%swap3A_316, %swap3A_317] {strides = array<i32>} : memref<64x128xf32, #tpu.memory_space<vmem>>, vector<1x16xf32>,
        %swap3A_319 = vector.shape_cast %swap3A_318 : vector<1x16xf32> to vector<16xf32>
        %swap3A_320 = vector.shape_cast %get3A_315 : vector<16xf32> to vector<1x16xf32>
        tpu.vector_store %arg9[%swap3A_316, %swap3A_317], %swap3A_320 {add = true, strides = array<i32>} : memref<64x128xf32, #tpu.memory_space<vmem>>, vector<1x16xf32>,
      }
      %scan3A_66 = arith.constant 64 : i32
      %mul3A_67 = arith.constant 64 : i32
      %mul3A_68 = arith.muli %add3A_46, %mul3A_67 : i32
      %add3A_69 = arith.addi %mul3A_2, %mul3A_68 : i32
      %dma_start3A_70 = arith.constant 0 : i32
      %dma_start3A_71 = tpu.memref_slice %arg6[%add3A_69, %dma_start3A_70] : memref<819200x128xf32, #tpu.memory_space<hbm>> -> memref<64x128xf32, #tpu.memory_space<hbm>>
      %dma_start3A_72 = arith.constant 0 : i32
      %dma_start3A_73 = tpu.memref_slice %arg6[%add3A_69, %dma_start3A_72] : memref<819200x128xf32, #tpu.memory_space<hbm>> -> memref<64x128xf32, #tpu.memory_space<hbm>>
      tpu.enqueue_dma source(%arg9 : memref<64x128xf32, #tpu.memory_space<vmem>>) target(%dma_start3A_73 : memref<64x128xf32, #tpu.memory_space<hbm>>) target_semaphore(%arg21 : memref<!tpu.dma_semaphore, #tpu.memory_space<semaphore_mem>>)
      %mul3A_74 = arith.constant 4 : i32
      %mul3A_75 = arith.muli %mul3A_74, %scan3A_42 : i32
      %add3A_76 = arith.constant 1 : i32
      %add3A_77 = arith.addi %mul3A_75, %add3A_76 : i32
      %add3A_78 = arith.constant 2 : i32
      %add3A_79 = arith.addi %add3A_77, %add3A_78 : i32
      %lt3A_80 = arith.constant 400 : i32
      %lt3A_81 = arith.cmpi slt, %add3A_79, %lt3A_80 : i32
      %convert_element_type3A_82 = arith.extui %lt3A_81 : i1 to i32
      %cond3A_83 = arith.constant 0 : i32
      %cond3A_84 = arith.cmpi ne, %convert_element_type3A_82, %cond3A_83 : i32
      scf.if %cond3A_84 {
        %ge3A = arith.constant 2 : i32
        %ge3A_176 = arith.cmpi sge, %add3A_77, %ge3A : i32
        %convert_element_type3A_177 = arith.extui %ge3A_176 : i1 to i32
        %cond3A_178 = arith.constant 0 : i32
        %cond3A_179 = arith.cmpi ne, %convert_element_type3A_177, %cond3A_178 : i32
        scf.if %cond3A_179 {
          %dma_wait3A_190 = arith.constant 0 : i32
          %dma_wait3A_191 = tpu.memref_slice %arg6[%mul3A_2, %dma_wait3A_190] : memref<819200x128xf32, #tpu.memory_space<hbm>> -> memref<64x128xf32, #tpu.memory_space<hbm>>
          %dma_wait3A_192 = arith.constant 0 : i32
          %dma_wait3A_193 = tpu.memref_slice %arg6[%mul3A_2, %dma_wait3A_192] : memref<819200x128xf32, #tpu.memory_space<hbm>> -> memref<64x128xf32, #tpu.memory_space<hbm>>
          tpu.wait_dma2 semaphore(%arg24 : memref<!tpu.dma_semaphore, #tpu.memory_space<semaphore_mem>>) src(%arg12 : memref<64x128xf32, #tpu.memory_space<vmem>>) dst(%dma_wait3A_193 : memref<64x128xf32, #tpu.memory_space<hbm>>)
        } else {
        }
        %mul3A_180 = arith.constant 64 : i32
        %mul3A_181 = arith.muli %add3A_79, %mul3A_180 : i32
        %dma_start3A_182 = tpu.memref_slice %arg7[%mul3A_181] : memref<25600xi32, #tpu.memory_space<vmem>> -> memref<64xi32, #tpu.memory_space<vmem>>
        %dma_start3A_183 = arith.constant 0 : i32
        %dma_start3A_184 = arith.constant 0 : i32
        %dma_start3A_185 = tpu.memref_slice %arg4[%dma_start3A_183, %dma_start3A_184] : memref<100000x128xf32, #tpu.memory_space<hbm>> -> memref<100000x128xf32, #tpu.memory_space<hbm>>
        tpu.enqueue_indirect_dma source(%dma_start3A_185 : memref<100000x128xf32, #tpu.memory_space<hbm>>) target(%arg12 : memref<64x128xf32, #tpu.memory_space<vmem>>) offsets(%dma_start3A_182 : memref<64xi32, #tpu.memory_space<vmem>>) semaphore(%arg20 : memref<!tpu.dma_semaphore, #tpu.memory_space<semaphore_mem>>)
        %dma_start3A_186 = tpu.memref_slice %arg8[%mul3A_181] : memref<25600xi32, #tpu.memory_space<vmem>> -> memref<64xi32, #tpu.memory_space<vmem>>
        %dma_start3A_187 = arith.constant 0 : i32
        %dma_start3A_188 = arith.constant 0 : i32
        %dma_start3A_189 = tpu.memref_slice %arg5[%dma_start3A_187, %dma_start3A_188] : memref<1000x128xf32, #tpu.memory_space<hbm>> -> memref<1000x128xf32, #tpu.memory_space<hbm>>
        tpu.enqueue_indirect_dma source(%dma_start3A_189 : memref<1000x128xf32, #tpu.memory_space<hbm>>) target(%arg16 : memref<64x128xf32, #tpu.memory_space<vmem>>) offsets(%dma_start3A_186 : memref<64xi32, #tpu.memory_space<vmem>>) semaphore(%arg20 : memref<!tpu.dma_semaphore, #tpu.memory_space<semaphore_mem>>)
      } else {
      }
      %mul3A_85 = arith.constant 64 : i32
      %mul3A_86 = arith.muli %add3A_77, %mul3A_85 : i32
      %dma_wait3A_87 = tpu.memref_slice %arg7[%mul3A_86] : memref<25600xi32, #tpu.memory_space<vmem>> -> memref<64xi32, #tpu.memory_space<vmem>>
      %dma_wait3A_88 = arith.constant 0 : i32
      %dma_wait3A_89 = arith.constant 0 : i32
      %dma_wait3A_90 = tpu.memref_slice %arg4[%dma_wait3A_88, %dma_wait3A_89] : memref<100000x128xf32, #tpu.memory_space<hbm>> -> memref<100000x128xf32, #tpu.memory_space<hbm>>
      tpu.wait_indirect_dma semaphore(%arg18 : memref<!tpu.dma_semaphore, #tpu.memory_space<semaphore_mem>>) src(%dma_wait3A_90 : memref<100000x128xf32, #tpu.memory_space<hbm>>) dst(%arg10 : memref<64x128xf32, #tpu.memory_space<vmem>>)
      %dma_wait3A_91 = tpu.memref_slice %arg8[%mul3A_86] : memref<25600xi32, #tpu.memory_space<vmem>> -> memref<64xi32, #tpu.memory_space<vmem>>
      %dma_wait3A_92 = arith.constant 0 : i32
      %dma_wait3A_93 = arith.constant 0 : i32
      %dma_wait3A_94 = tpu.memref_slice %arg5[%dma_wait3A_92, %dma_wait3A_93] : memref<1000x128xf32, #tpu.memory_space<hbm>> -> memref<1000x128xf32, #tpu.memory_space<hbm>>
      tpu.wait_indirect_dma semaphore(%arg18 : memref<!tpu.dma_semaphore, #tpu.memory_space<semaphore_mem>>) src(%dma_wait3A_94 : memref<1000x128xf32, #tpu.memory_space<hbm>>) dst(%arg14 : memref<64x128xf32, #tpu.memory_space<vmem>>)
      %scan3A_95 = arith.constant 0 : i32
      %scan3A_96 = arith.constant 0 : i32
      %scan3A_97 = arith.constant 64 : i32
      %scan3A_98 = arith.addi %scan3A_96, %scan3A_97 : i32
      %scan3A_99 = arith.constant 2 : i32
      scf.for %scan3A_176 = %scan3A_96 to %scan3A_98 step %scan3A_99  : i32 {
        %get3A = arith.index_cast %scan3A_176 : i32 to index
        %get3A_177 = arith.constant 0 : index
        %get3A_178 = tpu.vector_load %arg14[%get3A, %get3A_177] {strides = array<i32>} : memref<64x128xf32, #tpu.memory_space<vmem>>, vector<1x16xf32>,
        %get3A_179 = vector.shape_cast %get3A_178 : vector<1x16xf32> to vector<16xf32>
        %swap3A = arith.index_cast %scan3A_176 : i32 to index
        %swap3A_180 = arith.constant 0 : index
        %swap3A_181 = tpu.vector_load %arg10[%swap3A, %swap3A_180] {strides = array<i32>} : memref<64x128xf32, #tpu.memory_space<vmem>>, vector<1x16xf32>,
        %swap3A_182 = vector.shape_cast %swap3A_181 : vector<1x16xf32> to vector<16xf32>
        %swap3A_183 = vector.shape_cast %get3A_179 : vector<16xf32> to vector<1x16xf32>
        tpu.vector_store %arg10[%swap3A, %swap3A_180], %swap3A_183 {add = true, strides = array<i32>} : memref<64x128xf32, #tpu.memory_space<vmem>>, vector<1x16xf32>,
        %get3A_184 = arith.index_cast %scan3A_176 : i32 to index
        %get3A_185 = arith.constant 16 : index
        %get3A_186 = tpu.vector_load %arg14[%get3A_184, %get3A_185] {strides = array<i32>} : memref<64x128xf32, #tpu.memory_space<vmem>>, vector<1x16xf32>,
        %get3A_187 = vector.shape_cast %get3A_186 : vector<1x16xf32> to vector<16xf32>
        %swap3A_188 = arith.index_cast %scan3A_176 : i32 to index
        %swap3A_189 = arith.constant 16 : index
        %swap3A_190 = tpu.vector_load %arg10[%swap3A_188, %swap3A_189] {strides = array<i32>} : memref<64x128xf32, #tpu.memory_space<vmem>>, vector<1x16xf32>,
        %swap3A_191 = vector.shape_cast %swap3A_190 : vector<1x16xf32> to vector<16xf32>
        %swap3A_192 = vector.shape_cast %get3A_187 : vector<16xf32> to vector<1x16xf32>
        tpu.vector_store %arg10[%swap3A_188, %swap3A_189], %swap3A_192 {add = true, strides = array<i32>} : memref<64x128xf32, #tpu.memory_space<vmem>>, vector<1x16xf32>,
        %get3A_193 = arith.index_cast %scan3A_176 : i32 to index
        %get3A_194 = arith.constant 32 : index
        %get3A_195 = tpu.vector_load %arg14[%get3A_193, %get3A_194] {strides = array<i32>} : memref<64x128xf32, #tpu.memory_space<vmem>>, vector<1x16xf32>,
        %get3A_196 = vector.shape_cast %get3A_195 : vector<1x16xf32> to vector<16xf32>
        %swap3A_197 = arith.index_cast %scan3A_176 : i32 to index
        %swap3A_198 = arith.constant 32 : index
        %swap3A_199 = tpu.vector_load %arg10[%swap3A_197, %swap3A_198] {strides = array<i32>} : memref<64x128xf32, #tpu.memory_space<vmem>>, vector<1x16xf32>,
        %swap3A_200 = vector.shape_cast %swap3A_199 : vector<1x16xf32> to vector<16xf32>
        %swap3A_201 = vector.shape_cast %get3A_196 : vector<16xf32> to vector<1x16xf32>
        tpu.vector_store %arg10[%swap3A_197, %swap3A_198], %swap3A_201 {add = true, strides = array<i32>} : memref<64x128xf32, #tpu.memory_space<vmem>>, vector<1x16xf32>,
        %get3A_202 = arith.index_cast %scan3A_176 : i32 to index
        %get3A_203 = arith.constant 48 : index
        %get3A_204 = tpu.vector_load %arg14[%get3A_202, %get3A_203] {strides = array<i32>} : memref<64x128xf32, #tpu.memory_space<vmem>>, vector<1x16xf32>,
        %get3A_205 = vector.shape_cast %get3A_204 : vector<1x16xf32> to vector<16xf32>
        %swap3A_206 = arith.index_cast %scan3A_176 : i32 to index
        %swap3A_207 = arith.constant 48 : index
        %swap3A_208 = tpu.vector_load %arg10[%swap3A_206, %swap3A_207] {strides = array<i32>} : memref<64x128xf32, #tpu.memory_space<vmem>>, vector<1x16xf32>,
        %swap3A_209 = vector.shape_cast %swap3A_208 : vector<1x16xf32> to vector<16xf32>
        %swap3A_210 = vector.shape_cast %get3A_205 : vector<16xf32> to vector<1x16xf32>
        tpu.vector_store %arg10[%swap3A_206, %swap3A_207], %swap3A_210 {add = true, strides = array<i32>} : memref<64x128xf32, #tpu.memory_space<vmem>>, vector<1x16xf32>,
        %get3A_211 = arith.index_cast %scan3A_176 : i32 to index
        %get3A_212 = arith.constant 64 : index
        %get3A_213 = tpu.vector_load %arg14[%get3A_211, %get3A_212] {strides = array<i32>} : memref<64x128xf32, #tpu.memory_space<vmem>>, vector<1x16xf32>,
        %get3A_214 = vector.shape_cast %get3A_213 : vector<1x16xf32> to vector<16xf32>
        %swap3A_215 = arith.index_cast %scan3A_176 : i32 to index
        %swap3A_216 = arith.constant 64 : index
        %swap3A_217 = tpu.vector_load %arg10[%swap3A_215, %swap3A_216] {strides = array<i32>} : memref<64x128xf32, #tpu.memory_space<vmem>>, vector<1x16xf32>,
        %swap3A_218 = vector.shape_cast %swap3A_217 : vector<1x16xf32> to vector<16xf32>
        %swap3A_219 = vector.shape_cast %get3A_214 : vector<16xf32> to vector<1x16xf32>
        tpu.vector_store %arg10[%swap3A_215, %swap3A_216], %swap3A_219 {add = true, strides = array<i32>} : memref<64x128xf32, #tpu.memory_space<vmem>>, vector<1x16xf32>,
        %get3A_220 = arith.index_cast %scan3A_176 : i32 to index
        %get3A_221 = arith.constant 80 : index
        %get3A_222 = tpu.vector_load %arg14[%get3A_220, %get3A_221] {strides = array<i32>} : memref<64x128xf32, #tpu.memory_space<vmem>>, vector<1x16xf32>,
        %get3A_223 = vector.shape_cast %get3A_222 : vector<1x16xf32> to vector<16xf32>
        %swap3A_224 = arith.index_cast %scan3A_176 : i32 to index
        %swap3A_225 = arith.constant 80 : index
        %swap3A_226 = tpu.vector_load %arg10[%swap3A_224, %swap3A_225] {strides = array<i32>} : memref<64x128xf32, #tpu.memory_space<vmem>>, vector<1x16xf32>,
        %swap3A_227 = vector.shape_cast %swap3A_226 : vector<1x16xf32> to vector<16xf32>
        %swap3A_228 = vector.shape_cast %get3A_223 : vector<16xf32> to vector<1x16xf32>
        tpu.vector_store %arg10[%swap3A_224, %swap3A_225], %swap3A_228 {add = true, strides = array<i32>} : memref<64x128xf32, #tpu.memory_space<vmem>>, vector<1x16xf32>,
        %get3A_229 = arith.index_cast %scan3A_176 : i32 to index
        %get3A_230 = arith.constant 96 : index
        %get3A_231 = tpu.vector_load %arg14[%get3A_229, %get3A_230] {strides = array<i32>} : memref<64x128xf32, #tpu.memory_space<vmem>>, vector<1x16xf32>,
        %get3A_232 = vector.shape_cast %get3A_231 : vector<1x16xf32> to vector<16xf32>
        %swap3A_233 = arith.index_cast %scan3A_176 : i32 to index
        %swap3A_234 = arith.constant 96 : index
        %swap3A_235 = tpu.vector_load %arg10[%swap3A_233, %swap3A_234] {strides = array<i32>} : memref<64x128xf32, #tpu.memory_space<vmem>>, vector<1x16xf32>,
        %swap3A_236 = vector.shape_cast %swap3A_235 : vector<1x16xf32> to vector<16xf32>
        %swap3A_237 = vector.shape_cast %get3A_232 : vector<16xf32> to vector<1x16xf32>
        tpu.vector_store %arg10[%swap3A_233, %swap3A_234], %swap3A_237 {add = true, strides = array<i32>} : memref<64x128xf32, #tpu.memory_space<vmem>>, vector<1x16xf32>,
        %get3A_238 = arith.index_cast %scan3A_176 : i32 to index
        %get3A_239 = arith.constant 112 : index
        %get3A_240 = tpu.vector_load %arg14[%get3A_238, %get3A_239] {strides = array<i32>} : memref<64x128xf32, #tpu.memory_space<vmem>>, vector<1x16xf32>,
        %get3A_241 = vector.shape_cast %get3A_240 : vector<1x16xf32> to vector<16xf32>
        %swap3A_242 = arith.index_cast %scan3A_176 : i32 to index
        %swap3A_243 = arith.constant 112 : index
        %swap3A_244 = tpu.vector_load %arg10[%swap3A_242, %swap3A_243] {strides = array<i32>} : memref<64x128xf32, #tpu.memory_space<vmem>>, vector<1x16xf32>,
        %swap3A_245 = vector.shape_cast %swap3A_244 : vector<1x16xf32> to vector<16xf32>
        %swap3A_246 = vector.shape_cast %get3A_241 : vector<16xf32> to vector<1x16xf32>
        tpu.vector_store %arg10[%swap3A_242, %swap3A_243], %swap3A_246 {add = true, strides = array<i32>} : memref<64x128xf32, #tpu.memory_space<vmem>>, vector<1x16xf32>,
        %scan3A_247 = arith.constant 1 : i32
        %scan3A_248 = arith.addi %scan3A_176, %scan3A_247 : i32
        %get3A_249 = arith.index_cast %scan3A_248 : i32 to index
        %get3A_250 = arith.constant 0 : index
        %get3A_251 = tpu.vector_load %arg14[%get3A_249, %get3A_250] {strides = array<i32>} : memref<64x128xf32, #tpu.memory_space<vmem>>, vector<1x16xf32>,
        %get3A_252 = vector.shape_cast %get3A_251 : vector<1x16xf32> to vector<16xf32>
        %swap3A_253 = arith.index_cast %scan3A_248 : i32 to index
        %swap3A_254 = arith.constant 0 : index
        %swap3A_255 = tpu.vector_load %arg10[%swap3A_253, %swap3A_254] {strides = array<i32>} : memref<64x128xf32, #tpu.memory_space<vmem>>, vector<1x16xf32>,
        %swap3A_256 = vector.shape_cast %swap3A_255 : vector<1x16xf32> to vector<16xf32>
        %swap3A_257 = vector.shape_cast %get3A_252 : vector<16xf32> to vector<1x16xf32>
        tpu.vector_store %arg10[%swap3A_253, %swap3A_254], %swap3A_257 {add = true, strides = array<i32>} : memref<64x128xf32, #tpu.memory_space<vmem>>, vector<1x16xf32>,
        %get3A_258 = arith.index_cast %scan3A_248 : i32 to index
        %get3A_259 = arith.constant 16 : index
        %get3A_260 = tpu.vector_load %arg14[%get3A_258, %get3A_259] {strides = array<i32>} : memref<64x128xf32, #tpu.memory_space<vmem>>, vector<1x16xf32>,
        %get3A_261 = vector.shape_cast %get3A_260 : vector<1x16xf32> to vector<16xf32>
        %swap3A_262 = arith.index_cast %scan3A_248 : i32 to index
        %swap3A_263 = arith.constant 16 : index
        %swap3A_264 = tpu.vector_load %arg10[%swap3A_262, %swap3A_263] {strides = array<i32>} : memref<64x128xf32, #tpu.memory_space<vmem>>, vector<1x16xf32>,
        %swap3A_265 = vector.shape_cast %swap3A_264 : vector<1x16xf32> to vector<16xf32>
        %swap3A_266 = vector.shape_cast %get3A_261 : vector<16xf32> to vector<1x16xf32>
        tpu.vector_store %arg10[%swap3A_262, %swap3A_263], %swap3A_266 {add = true, strides = array<i32>} : memref<64x128xf32, #tpu.memory_space<vmem>>, vector<1x16xf32>,
        %get3A_267 = arith.index_cast %scan3A_248 : i32 to index
        %get3A_268 = arith.constant 32 : index
        %get3A_269 = tpu.vector_load %arg14[%get3A_267, %get3A_268] {strides = array<i32>} : memref<64x128xf32, #tpu.memory_space<vmem>>, vector<1x16xf32>,
        %get3A_270 = vector.shape_cast %get3A_269 : vector<1x16xf32> to vector<16xf32>
        %swap3A_271 = arith.index_cast %scan3A_248 : i32 to index
        %swap3A_272 = arith.constant 32 : index
        %swap3A_273 = tpu.vector_load %arg10[%swap3A_271, %swap3A_272] {strides = array<i32>} : memref<64x128xf32, #tpu.memory_space<vmem>>, vector<1x16xf32>,
        %swap3A_274 = vector.shape_cast %swap3A_273 : vector<1x16xf32> to vector<16xf32>
        %swap3A_275 = vector.shape_cast %get3A_270 : vector<16xf32> to vector<1x16xf32>
        tpu.vector_store %arg10[%swap3A_271, %swap3A_272], %swap3A_275 {add = true, strides = array<i32>} : memref<64x128xf32, #tpu.memory_space<vmem>>, vector<1x16xf32>,
        %get3A_276 = arith.index_cast %scan3A_248 : i32 to index
        %get3A_277 = arith.constant 48 : index
        %get3A_278 = tpu.vector_load %arg14[%get3A_276, %get3A_277] {strides = array<i32>} : memref<64x128xf32, #tpu.memory_space<vmem>>, vector<1x16xf32>,
        %get3A_279 = vector.shape_cast %get3A_278 : vector<1x16xf32> to vector<16xf32>
        %swap3A_280 = arith.index_cast %scan3A_248 : i32 to index
        %swap3A_281 = arith.constant 48 : index
        %swap3A_282 = tpu.vector_load %arg10[%swap3A_280, %swap3A_281] {strides = array<i32>} : memref<64x128xf32, #tpu.memory_space<vmem>>, vector<1x16xf32>,
        %swap3A_283 = vector.shape_cast %swap3A_282 : vector<1x16xf32> to vector<16xf32>
        %swap3A_284 = vector.shape_cast %get3A_279 : vector<16xf32> to vector<1x16xf32>
        tpu.vector_store %arg10[%swap3A_280, %swap3A_281], %swap3A_284 {add = true, strides = array<i32>} : memref<64x128xf32, #tpu.memory_space<vmem>>, vector<1x16xf32>,
        %get3A_285 = arith.index_cast %scan3A_248 : i32 to index
        %get3A_286 = arith.constant 64 : index
        %get3A_287 = tpu.vector_load %arg14[%get3A_285, %get3A_286] {strides = array<i32>} : memref<64x128xf32, #tpu.memory_space<vmem>>, vector<1x16xf32>,
        %get3A_288 = vector.shape_cast %get3A_287 : vector<1x16xf32> to vector<16xf32>
        %swap3A_289 = arith.index_cast %scan3A_248 : i32 to index
        %swap3A_290 = arith.constant 64 : index
        %swap3A_291 = tpu.vector_load %arg10[%swap3A_289, %swap3A_290] {strides = array<i32>} : memref<64x128xf32, #tpu.memory_space<vmem>>, vector<1x16xf32>,
        %swap3A_292 = vector.shape_cast %swap3A_291 : vector<1x16xf32> to vector<16xf32>
        %swap3A_293 = vector.shape_cast %get3A_288 : vector<16xf32> to vector<1x16xf32>
        tpu.vector_store %arg10[%swap3A_289, %swap3A_290], %swap3A_293 {add = true, strides = array<i32>} : memref<64x128xf32, #tpu.memory_space<vmem>>, vector<1x16xf32>,
        %get3A_294 = arith.index_cast %scan3A_248 : i32 to index
        %get3A_295 = arith.constant 80 : index
        %get3A_296 = tpu.vector_load %arg14[%get3A_294, %get3A_295] {strides = array<i32>} : memref<64x128xf32, #tpu.memory_space<vmem>>, vector<1x16xf32>,
        %get3A_297 = vector.shape_cast %get3A_296 : vector<1x16xf32> to vector<16xf32>
        %swap3A_298 = arith.index_cast %scan3A_248 : i32 to index
        %swap3A_299 = arith.constant 80 : index
        %swap3A_300 = tpu.vector_load %arg10[%swap3A_298, %swap3A_299] {strides = array<i32>} : memref<64x128xf32, #tpu.memory_space<vmem>>, vector<1x16xf32>,
        %swap3A_301 = vector.shape_cast %swap3A_300 : vector<1x16xf32> to vector<16xf32>
        %swap3A_302 = vector.shape_cast %get3A_297 : vector<16xf32> to vector<1x16xf32>
        tpu.vector_store %arg10[%swap3A_298, %swap3A_299], %swap3A_302 {add = true, strides = array<i32>} : memref<64x128xf32, #tpu.memory_space<vmem>>, vector<1x16xf32>,
        %get3A_303 = arith.index_cast %scan3A_248 : i32 to index
        %get3A_304 = arith.constant 96 : index
        %get3A_305 = tpu.vector_load %arg14[%get3A_303, %get3A_304] {strides = array<i32>} : memref<64x128xf32, #tpu.memory_space<vmem>>, vector<1x16xf32>,
        %get3A_306 = vector.shape_cast %get3A_305 : vector<1x16xf32> to vector<16xf32>
        %swap3A_307 = arith.index_cast %scan3A_248 : i32 to index
        %swap3A_308 = arith.constant 96 : index
        %swap3A_309 = tpu.vector_load %arg10[%swap3A_307, %swap3A_308] {strides = array<i32>} : memref<64x128xf32, #tpu.memory_space<vmem>>, vector<1x16xf32>,
        %swap3A_310 = vector.shape_cast %swap3A_309 : vector<1x16xf32> to vector<16xf32>
        %swap3A_311 = vector.shape_cast %get3A_306 : vector<16xf32> to vector<1x16xf32>
        tpu.vector_store %arg10[%swap3A_307, %swap3A_308], %swap3A_311 {add = true, strides = array<i32>} : memref<64x128xf32, #tpu.memory_space<vmem>>, vector<1x16xf32>,
        %get3A_312 = arith.index_cast %scan3A_248 : i32 to index
        %get3A_313 = arith.constant 112 : index
        %get3A_314 = tpu.vector_load %arg14[%get3A_312, %get3A_313] {strides = array<i32>} : memref<64x128xf32, #tpu.memory_space<vmem>>, vector<1x16xf32>,
        %get3A_315 = vector.shape_cast %get3A_314 : vector<1x16xf32> to vector<16xf32>
        %swap3A_316 = arith.index_cast %scan3A_248 : i32 to index
        %swap3A_317 = arith.constant 112 : index
        %swap3A_318 = tpu.vector_load %arg10[%swap3A_316, %swap3A_317] {strides = array<i32>} : memref<64x128xf32, #tpu.memory_space<vmem>>, vector<1x16xf32>,
        %swap3A_319 = vector.shape_cast %swap3A_318 : vector<1x16xf32> to vector<16xf32>
        %swap3A_320 = vector.shape_cast %get3A_315 : vector<16xf32> to vector<1x16xf32>
        tpu.vector_store %arg10[%swap3A_316, %swap3A_317], %swap3A_320 {add = true, strides = array<i32>} : memref<64x128xf32, #tpu.memory_space<vmem>>, vector<1x16xf32>,
      }
      %scan3A_100 = arith.constant 64 : i32
      %mul3A_101 = arith.constant 64 : i32
      %mul3A_102 = arith.muli %add3A_77, %mul3A_101 : i32
      %add3A_103 = arith.addi %mul3A_2, %mul3A_102 : i32
      %dma_start3A_104 = arith.constant 0 : i32
      %dma_start3A_105 = tpu.memref_slice %arg6[%add3A_103, %dma_start3A_104] : memref<819200x128xf32, #tpu.memory_space<hbm>> -> memref<64x128xf32, #tpu.memory_space<hbm>>
      %dma_start3A_106 = arith.constant 0 : i32
      %dma_start3A_107 = tpu.memref_slice %arg6[%add3A_103, %dma_start3A_106] : memref<819200x128xf32, #tpu.memory_space<hbm>> -> memref<64x128xf32, #tpu.memory_space<hbm>>
      tpu.enqueue_dma source(%arg10 : memref<64x128xf32, #tpu.memory_space<vmem>>) target(%dma_start3A_107 : memref<64x128xf32, #tpu.memory_space<hbm>>) target_semaphore(%arg22 : memref<!tpu.dma_semaphore, #tpu.memory_space<semaphore_mem>>)
      %mul3A_108 = arith.constant 4 : i32
      %mul3A_109 = arith.muli %mul3A_108, %scan3A_42 : i32
      %add3A_110 = arith.constant 2 : i32
      %add3A_111 = arith.addi %mul3A_109, %add3A_110 : i32
      %add3A_112 = arith.constant 2 : i32
      %add3A_113 = arith.addi %add3A_111, %add3A_112 : i32
      %lt3A_114 = arith.constant 400 : i32
      %lt3A_115 = arith.cmpi slt, %add3A_113, %lt3A_114 : i32
      %convert_element_type3A_116 = arith.extui %lt3A_115 : i1 to i32
      %cond3A_117 = arith.constant 0 : i32
      %cond3A_118 = arith.cmpi ne, %convert_element_type3A_116, %cond3A_117 : i32
      scf.if %cond3A_118 {
        %ge3A = arith.constant 2 : i32
        %ge3A_176 = arith.cmpi sge, %add3A_111, %ge3A : i32
        %convert_element_type3A_177 = arith.extui %ge3A_176 : i1 to i32
        %cond3A_178 = arith.constant 0 : i32
        %cond3A_179 = arith.cmpi ne, %convert_element_type3A_177, %cond3A_178 : i32
        scf.if %cond3A_179 {
          %dma_wait3A_190 = arith.constant 0 : i32
          %dma_wait3A_191 = tpu.memref_slice %arg6[%mul3A_2, %dma_wait3A_190] : memref<819200x128xf32, #tpu.memory_space<hbm>> -> memref<64x128xf32, #tpu.memory_space<hbm>>
          %dma_wait3A_192 = arith.constant 0 : i32
          %dma_wait3A_193 = tpu.memref_slice %arg6[%mul3A_2, %dma_wait3A_192] : memref<819200x128xf32, #tpu.memory_space<hbm>> -> memref<64x128xf32, #tpu.memory_space<hbm>>
          tpu.wait_dma2 semaphore(%arg21 : memref<!tpu.dma_semaphore, #tpu.memory_space<semaphore_mem>>) src(%arg9 : memref<64x128xf32, #tpu.memory_space<vmem>>) dst(%dma_wait3A_193 : memref<64x128xf32, #tpu.memory_space<hbm>>)
        } else {
        }
        %mul3A_180 = arith.constant 64 : i32
        %mul3A_181 = arith.muli %add3A_113, %mul3A_180 : i32
        %dma_start3A_182 = tpu.memref_slice %arg7[%mul3A_181] : memref<25600xi32, #tpu.memory_space<vmem>> -> memref<64xi32, #tpu.memory_space<vmem>>
        %dma_start3A_183 = arith.constant 0 : i32
        %dma_start3A_184 = arith.constant 0 : i32
        %dma_start3A_185 = tpu.memref_slice %arg4[%dma_start3A_183, %dma_start3A_184] : memref<100000x128xf32, #tpu.memory_space<hbm>> -> memref<100000x128xf32, #tpu.memory_space<hbm>>
        tpu.enqueue_indirect_dma source(%dma_start3A_185 : memref<100000x128xf32, #tpu.memory_space<hbm>>) target(%arg9 : memref<64x128xf32, #tpu.memory_space<vmem>>) offsets(%dma_start3A_182 : memref<64xi32, #tpu.memory_space<vmem>>) semaphore(%arg17 : memref<!tpu.dma_semaphore, #tpu.memory_space<semaphore_mem>>)
        %dma_start3A_186 = tpu.memref_slice %arg8[%mul3A_181] : memref<25600xi32, #tpu.memory_space<vmem>> -> memref<64xi32, #tpu.memory_space<vmem>>
        %dma_start3A_187 = arith.constant 0 : i32
        %dma_start3A_188 = arith.constant 0 : i32
        %dma_start3A_189 = tpu.memref_slice %arg5[%dma_start3A_187, %dma_start3A_188] : memref<1000x128xf32, #tpu.memory_space<hbm>> -> memref<1000x128xf32, #tpu.memory_space<hbm>>
        tpu.enqueue_indirect_dma source(%dma_start3A_189 : memref<1000x128xf32, #tpu.memory_space<hbm>>) target(%arg13 : memref<64x128xf32, #tpu.memory_space<vmem>>) offsets(%dma_start3A_186 : memref<64xi32, #tpu.memory_space<vmem>>) semaphore(%arg17 : memref<!tpu.dma_semaphore, #tpu.memory_space<semaphore_mem>>)
      } else {
      }
      %mul3A_119 = arith.constant 64 : i32
      %mul3A_120 = arith.muli %add3A_111, %mul3A_119 : i32
      %dma_wait3A_121 = tpu.memref_slice %arg7[%mul3A_120] : memref<25600xi32, #tpu.memory_space<vmem>> -> memref<64xi32, #tpu.memory_space<vmem>>
      %dma_wait3A_122 = arith.constant 0 : i32
      %dma_wait3A_123 = arith.constant 0 : i32
      %dma_wait3A_124 = tpu.memref_slice %arg4[%dma_wait3A_122, %dma_wait3A_123] : memref<100000x128xf32, #tpu.memory_space<hbm>> -> memref<100000x128xf32, #tpu.memory_space<hbm>>
      tpu.wait_indirect_dma semaphore(%arg19 : memref<!tpu.dma_semaphore, #tpu.memory_space<semaphore_mem>>) src(%dma_wait3A_124 : memref<100000x128xf32, #tpu.memory_space<hbm>>) dst(%arg11 : memref<64x128xf32, #tpu.memory_space<vmem>>)
      %dma_wait3A_125 = tpu.memref_slice %arg8[%mul3A_120] : memref<25600xi32, #tpu.memory_space<vmem>> -> memref<64xi32, #tpu.memory_space<vmem>>
      %dma_wait3A_126 = arith.constant 0 : i32
      %dma_wait3A_127 = arith.constant 0 : i32
      %dma_wait3A_128 = tpu.memref_slice %arg5[%dma_wait3A_126, %dma_wait3A_127] : memref<1000x128xf32, #tpu.memory_space<hbm>> -> memref<1000x128xf32, #tpu.memory_space<hbm>>
      tpu.wait_indirect_dma semaphore(%arg19 : memref<!tpu.dma_semaphore, #tpu.memory_space<semaphore_mem>>) src(%dma_wait3A_128 : memref<1000x128xf32, #tpu.memory_space<hbm>>) dst(%arg15 : memref<64x128xf32, #tpu.memory_space<vmem>>)
      %scan3A_129 = arith.constant 0 : i32
      %scan3A_130 = arith.constant 0 : i32
      %scan3A_131 = arith.constant 64 : i32
      %scan3A_132 = arith.addi %scan3A_130, %scan3A_131 : i32
      %scan3A_133 = arith.constant 2 : i32
      scf.for %scan3A_176 = %scan3A_130 to %scan3A_132 step %scan3A_133  : i32 {
        %get3A = arith.index_cast %scan3A_176 : i32 to index
        %get3A_177 = arith.constant 0 : index
        %get3A_178 = tpu.vector_load %arg15[%get3A, %get3A_177] {strides = array<i32>} : memref<64x128xf32, #tpu.memory_space<vmem>>, vector<1x16xf32>,
        %get3A_179 = vector.shape_cast %get3A_178 : vector<1x16xf32> to vector<16xf32>
        %swap3A = arith.index_cast %scan3A_176 : i32 to index
        %swap3A_180 = arith.constant 0 : index
        %swap3A_181 = tpu.vector_load %arg11[%swap3A, %swap3A_180] {strides = array<i32>} : memref<64x128xf32, #tpu.memory_space<vmem>>, vector<1x16xf32>,
        %swap3A_182 = vector.shape_cast %swap3A_181 : vector<1x16xf32> to vector<16xf32>
        %swap3A_183 = vector.shape_cast %get3A_179 : vector<16xf32> to vector<1x16xf32>
        tpu.vector_store %arg11[%swap3A, %swap3A_180], %swap3A_183 {add = true, strides = array<i32>} : memref<64x128xf32, #tpu.memory_space<vmem>>, vector<1x16xf32>,
        %get3A_184 = arith.index_cast %scan3A_176 : i32 to index
        %get3A_185 = arith.constant 16 : index
        %get3A_186 = tpu.vector_load %arg15[%get3A_184, %get3A_185] {strides = array<i32>} : memref<64x128xf32, #tpu.memory_space<vmem>>, vector<1x16xf32>,
        %get3A_187 = vector.shape_cast %get3A_186 : vector<1x16xf32> to vector<16xf32>
        %swap3A_188 = arith.index_cast %scan3A_176 : i32 to index
        %swap3A_189 = arith.constant 16 : index
        %swap3A_190 = tpu.vector_load %arg11[%swap3A_188, %swap3A_189] {strides = array<i32>} : memref<64x128xf32, #tpu.memory_space<vmem>>, vector<1x16xf32>,
        %swap3A_191 = vector.shape_cast %swap3A_190 : vector<1x16xf32> to vector<16xf32>
        %swap3A_192 = vector.shape_cast %get3A_187 : vector<16xf32> to vector<1x16xf32>
        tpu.vector_store %arg11[%swap3A_188, %swap3A_189], %swap3A_192 {add = true, strides = array<i32>} : memref<64x128xf32, #tpu.memory_space<vmem>>, vector<1x16xf32>,
        %get3A_193 = arith.index_cast %scan3A_176 : i32 to index
        %get3A_194 = arith.constant 32 : index
        %get3A_195 = tpu.vector_load %arg15[%get3A_193, %get3A_194] {strides = array<i32>} : memref<64x128xf32, #tpu.memory_space<vmem>>, vector<1x16xf32>,
        %get3A_196 = vector.shape_cast %get3A_195 : vector<1x16xf32> to vector<16xf32>
        %swap3A_197 = arith.index_cast %scan3A_176 : i32 to index
        %swap3A_198 = arith.constant 32 : index
        %swap3A_199 = tpu.vector_load %arg11[%swap3A_197, %swap3A_198] {strides = array<i32>} : memref<64x128xf32, #tpu.memory_space<vmem>>, vector<1x16xf32>,
        %swap3A_200 = vector.shape_cast %swap3A_199 : vector<1x16xf32> to vector<16xf32>
        %swap3A_201 = vector.shape_cast %get3A_196 : vector<16xf32> to vector<1x16xf32>
        tpu.vector_store %arg11[%swap3A_197, %swap3A_198], %swap3A_201 {add = true, strides = array<i32>} : memref<64x128xf32, #tpu.memory_space<vmem>>, vector<1x16xf32>,
        %get3A_202 = arith.index_cast %scan3A_176 : i32 to index
        %get3A_203 = arith.constant 48 : index
        %get3A_204 = tpu.vector_load %arg15[%get3A_202, %get3A_203] {strides = array<i32>} : memref<64x128xf32, #tpu.memory_space<vmem>>, vector<1x16xf32>,
        %get3A_205 = vector.shape_cast %get3A_204 : vector<1x16xf32> to vector<16xf32>
        %swap3A_206 = arith.index_cast %scan3A_176 : i32 to index
        %swap3A_207 = arith.constant 48 : index
        %swap3A_208 = tpu.vector_load %arg11[%swap3A_206, %swap3A_207] {strides = array<i32>} : memref<64x128xf32, #tpu.memory_space<vmem>>, vector<1x16xf32>,
        %swap3A_209 = vector.shape_cast %swap3A_208 : vector<1x16xf32> to vector<16xf32>
        %swap3A_210 = vector.shape_cast %get3A_205 : vector<16xf32> to vector<1x16xf32>
        tpu.vector_store %arg11[%swap3A_206, %swap3A_207], %swap3A_210 {add = true, strides = array<i32>} : memref<64x128xf32, #tpu.memory_space<vmem>>, vector<1x16xf32>,
        %get3A_211 = arith.index_cast %scan3A_176 : i32 to index
        %get3A_212 = arith.constant 64 : index
        %get3A_213 = tpu.vector_load %arg15[%get3A_211, %get3A_212] {strides = array<i32>} : memref<64x128xf32, #tpu.memory_space<vmem>>, vector<1x16xf32>,
        %get3A_214 = vector.shape_cast %get3A_213 : vector<1x16xf32> to vector<16xf32>
        %swap3A_215 = arith.index_cast %scan3A_176 : i32 to index
        %swap3A_216 = arith.constant 64 : index
        %swap3A_217 = tpu.vector_load %arg11[%swap3A_215, %swap3A_216] {strides = array<i32>} : memref<64x128xf32, #tpu.memory_space<vmem>>, vector<1x16xf32>,
        %swap3A_218 = vector.shape_cast %swap3A_217 : vector<1x16xf32> to vector<16xf32>
        %swap3A_219 = vector.shape_cast %get3A_214 : vector<16xf32> to vector<1x16xf32>
        tpu.vector_store %arg11[%swap3A_215, %swap3A_216], %swap3A_219 {add = true, strides = array<i32>} : memref<64x128xf32, #tpu.memory_space<vmem>>, vector<1x16xf32>,
        %get3A_220 = arith.index_cast %scan3A_176 : i32 to index
        %get3A_221 = arith.constant 80 : index
        %get3A_222 = tpu.vector_load %arg15[%get3A_220, %get3A_221] {strides = array<i32>} : memref<64x128xf32, #tpu.memory_space<vmem>>, vector<1x16xf32>,
        %get3A_223 = vector.shape_cast %get3A_222 : vector<1x16xf32> to vector<16xf32>
        %swap3A_224 = arith.index_cast %scan3A_176 : i32 to index
        %swap3A_225 = arith.constant 80 : index
        %swap3A_226 = tpu.vector_load %arg11[%swap3A_224, %swap3A_225] {strides = array<i32>} : memref<64x128xf32, #tpu.memory_space<vmem>>, vector<1x16xf32>,
        %swap3A_227 = vector.shape_cast %swap3A_226 : vector<1x16xf32> to vector<16xf32>
        %swap3A_228 = vector.shape_cast %get3A_223 : vector<16xf32> to vector<1x16xf32>
        tpu.vector_store %arg11[%swap3A_224, %swap3A_225], %swap3A_228 {add = true, strides = array<i32>} : memref<64x128xf32, #tpu.memory_space<vmem>>, vector<1x16xf32>,
        %get3A_229 = arith.index_cast %scan3A_176 : i32 to index
        %get3A_230 = arith.constant 96 : index
        %get3A_231 = tpu.vector_load %arg15[%get3A_229, %get3A_230] {strides = array<i32>} : memref<64x128xf32, #tpu.memory_space<vmem>>, vector<1x16xf32>,
        %get3A_232 = vector.shape_cast %get3A_231 : vector<1x16xf32> to vector<16xf32>
        %swap3A_233 = arith.index_cast %scan3A_176 : i32 to index
        %swap3A_234 = arith.constant 96 : index
        %swap3A_235 = tpu.vector_load %arg11[%swap3A_233, %swap3A_234] {strides = array<i32>} : memref<64x128xf32, #tpu.memory_space<vmem>>, vector<1x16xf32>,
        %swap3A_236 = vector.shape_cast %swap3A_235 : vector<1x16xf32> to vector<16xf32>
        %swap3A_237 = vector.shape_cast %get3A_232 : vector<16xf32> to vector<1x16xf32>
        tpu.vector_store %arg11[%swap3A_233, %swap3A_234], %swap3A_237 {add = true, strides = array<i32>} : memref<64x128xf32, #tpu.memory_space<vmem>>, vector<1x16xf32>,
        %get3A_238 = arith.index_cast %scan3A_176 : i32 to index
        %get3A_239 = arith.constant 112 : index
        %get3A_240 = tpu.vector_load %arg15[%get3A_238, %get3A_239] {strides = array<i32>} : memref<64x128xf32, #tpu.memory_space<vmem>>, vector<1x16xf32>,
        %get3A_241 = vector.shape_cast %get3A_240 : vector<1x16xf32> to vector<16xf32>
        %swap3A_242 = arith.index_cast %scan3A_176 : i32 to index
        %swap3A_243 = arith.constant 112 : index
        %swap3A_244 = tpu.vector_load %arg11[%swap3A_242, %swap3A_243] {strides = array<i32>} : memref<64x128xf32, #tpu.memory_space<vmem>>, vector<1x16xf32>,
        %swap3A_245 = vector.shape_cast %swap3A_244 : vector<1x16xf32> to vector<16xf32>
        %swap3A_246 = vector.shape_cast %get3A_241 : vector<16xf32> to vector<1x16xf32>
        tpu.vector_store %arg11[%swap3A_242, %swap3A_243], %swap3A_246 {add = true, strides = array<i32>} : memref<64x128xf32, #tpu.memory_space<vmem>>, vector<1x16xf32>,
        %scan3A_247 = arith.constant 1 : i32
        %scan3A_248 = arith.addi %scan3A_176, %scan3A_247 : i32
        %get3A_249 = arith.index_cast %scan3A_248 : i32 to index
        %get3A_250 = arith.constant 0 : index
        %get3A_251 = tpu.vector_load %arg15[%get3A_249, %get3A_250] {strides = array<i32>} : memref<64x128xf32, #tpu.memory_space<vmem>>, vector<1x16xf32>,
        %get3A_252 = vector.shape_cast %get3A_251 : vector<1x16xf32> to vector<16xf32>
        %swap3A_253 = arith.index_cast %scan3A_248 : i32 to index
        %swap3A_254 = arith.constant 0 : index
        %swap3A_255 = tpu.vector_load %arg11[%swap3A_253, %swap3A_254] {strides = array<i32>} : memref<64x128xf32, #tpu.memory_space<vmem>>, vector<1x16xf32>,
        %swap3A_256 = vector.shape_cast %swap3A_255 : vector<1x16xf32> to vector<16xf32>
        %swap3A_257 = vector.shape_cast %get3A_252 : vector<16xf32> to vector<1x16xf32>
        tpu.vector_store %arg11[%swap3A_253, %swap3A_254], %swap3A_257 {add = true, strides = array<i32>} : memref<64x128xf32, #tpu.memory_space<vmem>>, vector<1x16xf32>,
        %get3A_258 = arith.index_cast %scan3A_248 : i32 to index
        %get3A_259 = arith.constant 16 : index
        %get3A_260 = tpu.vector_load %arg15[%get3A_258, %get3A_259] {strides = array<i32>} : memref<64x128xf32, #tpu.memory_space<vmem>>, vector<1x16xf32>,
        %get3A_261 = vector.shape_cast %get3A_260 : vector<1x16xf32> to vector<16xf32>
        %swap3A_262 = arith.index_cast %scan3A_248 : i32 to index
        %swap3A_263 = arith.constant 16 : index
        %swap3A_264 = tpu.vector_load %arg11[%swap3A_262, %swap3A_263] {strides = array<i32>} : memref<64x128xf32, #tpu.memory_space<vmem>>, vector<1x16xf32>,
        %swap3A_265 = vector.shape_cast %swap3A_264 : vector<1x16xf32> to vector<16xf32>
        %swap3A_266 = vector.shape_cast %get3A_261 : vector<16xf32> to vector<1x16xf32>
        tpu.vector_store %arg11[%swap3A_262, %swap3A_263], %swap3A_266 {add = true, strides = array<i32>} : memref<64x128xf32, #tpu.memory_space<vmem>>, vector<1x16xf32>,
        %get3A_267 = arith.index_cast %scan3A_248 : i32 to index
        %get3A_268 = arith.constant 32 : index
        %get3A_269 = tpu.vector_load %arg15[%get3A_267, %get3A_268] {strides = array<i32>} : memref<64x128xf32, #tpu.memory_space<vmem>>, vector<1x16xf32>,
        %get3A_270 = vector.shape_cast %get3A_269 : vector<1x16xf32> to vector<16xf32>
        %swap3A_271 = arith.index_cast %scan3A_248 : i32 to index
        %swap3A_272 = arith.constant 32 : index
        %swap3A_273 = tpu.vector_load %arg11[%swap3A_271, %swap3A_272] {strides = array<i32>} : memref<64x128xf32, #tpu.memory_space<vmem>>, vector<1x16xf32>,
        %swap3A_274 = vector.shape_cast %swap3A_273 : vector<1x16xf32> to vector<16xf32>
        %swap3A_275 = vector.shape_cast %get3A_270 : vector<16xf32> to vector<1x16xf32>
        tpu.vector_store %arg11[%swap3A_271, %swap3A_272], %swap3A_275 {add = true, strides = array<i32>} : memref<64x128xf32, #tpu.memory_space<vmem>>, vector<1x16xf32>,
        %get3A_276 = arith.index_cast %scan3A_248 : i32 to index
        %get3A_277 = arith.constant 48 : index
        %get3A_278 = tpu.vector_load %arg15[%get3A_276, %get3A_277] {strides = array<i32>} : memref<64x128xf32, #tpu.memory_space<vmem>>, vector<1x16xf32>,
        %get3A_279 = vector.shape_cast %get3A_278 : vector<1x16xf32> to vector<16xf32>
        %swap3A_280 = arith.index_cast %scan3A_248 : i32 to index
        %swap3A_281 = arith.constant 48 : index
        %swap3A_282 = tpu.vector_load %arg11[%swap3A_280, %swap3A_281] {strides = array<i32>} : memref<64x128xf32, #tpu.memory_space<vmem>>, vector<1x16xf32>,
        %swap3A_283 = vector.shape_cast %swap3A_282 : vector<1x16xf32> to vector<16xf32>
        %swap3A_284 = vector.shape_cast %get3A_279 : vector<16xf32> to vector<1x16xf32>
        tpu.vector_store %arg11[%swap3A_280, %swap3A_281], %swap3A_284 {add = true, strides = array<i32>} : memref<64x128xf32, #tpu.memory_space<vmem>>, vector<1x16xf32>,
        %get3A_285 = arith.index_cast %scan3A_248 : i32 to index
        %get3A_286 = arith.constant 64 : index
        %get3A_287 = tpu.vector_load %arg15[%get3A_285, %get3A_286] {strides = array<i32>} : memref<64x128xf32, #tpu.memory_space<vmem>>, vector<1x16xf32>,
        %get3A_288 = vector.shape_cast %get3A_287 : vector<1x16xf32> to vector<16xf32>
        %swap3A_289 = arith.index_cast %scan3A_248 : i32 to index
        %swap3A_290 = arith.constant 64 : index
        %swap3A_291 = tpu.vector_load %arg11[%swap3A_289, %swap3A_290] {strides = array<i32>} : memref<64x128xf32, #tpu.memory_space<vmem>>, vector<1x16xf32>,
        %swap3A_292 = vector.shape_cast %swap3A_291 : vector<1x16xf32> to vector<16xf32>
        %swap3A_293 = vector.shape_cast %get3A_288 : vector<16xf32> to vector<1x16xf32>
        tpu.vector_store %arg11[%swap3A_289, %swap3A_290], %swap3A_293 {add = true, strides = array<i32>} : memref<64x128xf32, #tpu.memory_space<vmem>>, vector<1x16xf32>,
        %get3A_294 = arith.index_cast %scan3A_248 : i32 to index
        %get3A_295 = arith.constant 80 : index
        %get3A_296 = tpu.vector_load %arg15[%get3A_294, %get3A_295] {strides = array<i32>} : memref<64x128xf32, #tpu.memory_space<vmem>>, vector<1x16xf32>,
        %get3A_297 = vector.shape_cast %get3A_296 : vector<1x16xf32> to vector<16xf32>
        %swap3A_298 = arith.index_cast %scan3A_248 : i32 to index
        %swap3A_299 = arith.constant 80 : index
        %swap3A_300 = tpu.vector_load %arg11[%swap3A_298, %swap3A_299] {strides = array<i32>} : memref<64x128xf32, #tpu.memory_space<vmem>>, vector<1x16xf32>,
        %swap3A_301 = vector.shape_cast %swap3A_300 : vector<1x16xf32> to vector<16xf32>
        %swap3A_302 = vector.shape_cast %get3A_297 : vector<16xf32> to vector<1x16xf32>
        tpu.vector_store %arg11[%swap3A_298, %swap3A_299], %swap3A_302 {add = true, strides = array<i32>} : memref<64x128xf32, #tpu.memory_space<vmem>>, vector<1x16xf32>,
        %get3A_303 = arith.index_cast %scan3A_248 : i32 to index
        %get3A_304 = arith.constant 96 : index
        %get3A_305 = tpu.vector_load %arg15[%get3A_303, %get3A_304] {strides = array<i32>} : memref<64x128xf32, #tpu.memory_space<vmem>>, vector<1x16xf32>,
        %get3A_306 = vector.shape_cast %get3A_305 : vector<1x16xf32> to vector<16xf32>
        %swap3A_307 = arith.index_cast %scan3A_248 : i32 to index
        %swap3A_308 = arith.constant 96 : index
        %swap3A_309 = tpu.vector_load %arg11[%swap3A_307, %swap3A_308] {strides = array<i32>} : memref<64x128xf32, #tpu.memory_space<vmem>>, vector<1x16xf32>,
        %swap3A_310 = vector.shape_cast %swap3A_309 : vector<1x16xf32> to vector<16xf32>
        %swap3A_311 = vector.shape_cast %get3A_306 : vector<16xf32> to vector<1x16xf32>
        tpu.vector_store %arg11[%swap3A_307, %swap3A_308], %swap3A_311 {add = true, strides = array<i32>} : memref<64x128xf32, #tpu.memory_space<vmem>>, vector<1x16xf32>,
        %get3A_312 = arith.index_cast %scan3A_248 : i32 to index
        %get3A_313 = arith.constant 112 : index
        %get3A_314 = tpu.vector_load %arg15[%get3A_312, %get3A_313] {strides = array<i32>} : memref<64x128xf32, #tpu.memory_space<vmem>>, vector<1x16xf32>,
        %get3A_315 = vector.shape_cast %get3A_314 : vector<1x16xf32> to vector<16xf32>
        %swap3A_316 = arith.index_cast %scan3A_248 : i32 to index
        %swap3A_317 = arith.constant 112 : index
        %swap3A_318 = tpu.vector_load %arg11[%swap3A_316, %swap3A_317] {strides = array<i32>} : memref<64x128xf32, #tpu.memory_space<vmem>>, vector<1x16xf32>,
        %swap3A_319 = vector.shape_cast %swap3A_318 : vector<1x16xf32> to vector<16xf32>
        %swap3A_320 = vector.shape_cast %get3A_315 : vector<16xf32> to vector<1x16xf32>
        tpu.vector_store %arg11[%swap3A_316, %swap3A_317], %swap3A_320 {add = true, strides = array<i32>} : memref<64x128xf32, #tpu.memory_space<vmem>>, vector<1x16xf32>,
      }
      %scan3A_134 = arith.constant 64 : i32
      %mul3A_135 = arith.constant 64 : i32
      %mul3A_136 = arith.muli %add3A_111, %mul3A_135 : i32
      %add3A_137 = arith.addi %mul3A_2, %mul3A_136 : i32
      %dma_start3A_138 = arith.constant 0 : i32
      %dma_start3A_139 = tpu.memref_slice %arg6[%add3A_137, %dma_start3A_138] : memref<819200x128xf32, #tpu.memory_space<hbm>> -> memref<64x128xf32, #tpu.memory_space<hbm>>
      %dma_start3A_140 = arith.constant 0 : i32
      %dma_start3A_141 = tpu.memref_slice %arg6[%add3A_137, %dma_start3A_140] : memref<819200x128xf32, #tpu.memory_space<hbm>> -> memref<64x128xf32, #tpu.memory_space<hbm>>
      tpu.enqueue_dma source(%arg11 : memref<64x128xf32, #tpu.memory_space<vmem>>) target(%dma_start3A_141 : memref<64x128xf32, #tpu.memory_space<hbm>>) target_semaphore(%arg23 : memref<!tpu.dma_semaphore, #tpu.memory_space<semaphore_mem>>)
      %mul3A_142 = arith.constant 4 : i32
      %mul3A_143 = arith.muli %mul3A_142, %scan3A_42 : i32
      %add3A_144 = arith.constant 3 : i32
      %add3A_145 = arith.addi %mul3A_143, %add3A_144 : i32
      %add3A_146 = arith.constant 2 : i32
      %add3A_147 = arith.addi %add3A_145, %add3A_146 : i32
      %lt3A_148 = arith.constant 400 : i32
      %lt3A_149 = arith.cmpi slt, %add3A_147, %lt3A_148 : i32
      %convert_element_type3A_150 = arith.extui %lt3A_149 : i1 to i32
      %cond3A_151 = arith.constant 0 : i32
      %cond3A_152 = arith.cmpi ne, %convert_element_type3A_150, %cond3A_151 : i32
      scf.if %cond3A_152 {
        %ge3A = arith.constant 2 : i32
        %ge3A_176 = arith.cmpi sge, %add3A_145, %ge3A : i32
        %convert_element_type3A_177 = arith.extui %ge3A_176 : i1 to i32
        %cond3A_178 = arith.constant 0 : i32
        %cond3A_179 = arith.cmpi ne, %convert_element_type3A_177, %cond3A_178 : i32
        scf.if %cond3A_179 {
          %dma_wait3A_190 = arith.constant 0 : i32
          %dma_wait3A_191 = tpu.memref_slice %arg6[%mul3A_2, %dma_wait3A_190] : memref<819200x128xf32, #tpu.memory_space<hbm>> -> memref<64x128xf32, #tpu.memory_space<hbm>>
          %dma_wait3A_192 = arith.constant 0 : i32
          %dma_wait3A_193 = tpu.memref_slice %arg6[%mul3A_2, %dma_wait3A_192] : memref<819200x128xf32, #tpu.memory_space<hbm>> -> memref<64x128xf32, #tpu.memory_space<hbm>>
          tpu.wait_dma2 semaphore(%arg22 : memref<!tpu.dma_semaphore, #tpu.memory_space<semaphore_mem>>) src(%arg10 : memref<64x128xf32, #tpu.memory_space<vmem>>) dst(%dma_wait3A_193 : memref<64x128xf32, #tpu.memory_space<hbm>>)
        } else {
        }
        %mul3A_180 = arith.constant 64 : i32
        %mul3A_181 = arith.muli %add3A_147, %mul3A_180 : i32
        %dma_start3A_182 = tpu.memref_slice %arg7[%mul3A_181] : memref<25600xi32, #tpu.memory_space<vmem>> -> memref<64xi32, #tpu.memory_space<vmem>>
        %dma_start3A_183 = arith.constant 0 : i32
        %dma_start3A_184 = arith.constant 0 : i32
        %dma_start3A_185 = tpu.memref_slice %arg4[%dma_start3A_183, %dma_start3A_184] : memref<100000x128xf32, #tpu.memory_space<hbm>> -> memref<100000x128xf32, #tpu.memory_space<hbm>>
        tpu.enqueue_indirect_dma source(%dma_start3A_185 : memref<100000x128xf32, #tpu.memory_space<hbm>>) target(%arg10 : memref<64x128xf32, #tpu.memory_space<vmem>>) offsets(%dma_start3A_182 : memref<64xi32, #tpu.memory_space<vmem>>) semaphore(%arg18 : memref<!tpu.dma_semaphore, #tpu.memory_space<semaphore_mem>>)
        %dma_start3A_186 = tpu.memref_slice %arg8[%mul3A_181] : memref<25600xi32, #tpu.memory_space<vmem>> -> memref<64xi32, #tpu.memory_space<vmem>>
        %dma_start3A_187 = arith.constant 0 : i32
        %dma_start3A_188 = arith.constant 0 : i32
        %dma_start3A_189 = tpu.memref_slice %arg5[%dma_start3A_187, %dma_start3A_188] : memref<1000x128xf32, #tpu.memory_space<hbm>> -> memref<1000x128xf32, #tpu.memory_space<hbm>>
        tpu.enqueue_indirect_dma source(%dma_start3A_189 : memref<1000x128xf32, #tpu.memory_space<hbm>>) target(%arg14 : memref<64x128xf32, #tpu.memory_space<vmem>>) offsets(%dma_start3A_186 : memref<64xi32, #tpu.memory_space<vmem>>) semaphore(%arg18 : memref<!tpu.dma_semaphore, #tpu.memory_space<semaphore_mem>>)
      } else {
      }
      %mul3A_153 = arith.constant 64 : i32
      %mul3A_154 = arith.muli %add3A_145, %mul3A_153 : i32
      %dma_wait3A_155 = tpu.memref_slice %arg7[%mul3A_154] : memref<25600xi32, #tpu.memory_space<vmem>> -> memref<64xi32, #tpu.memory_space<vmem>>
      %dma_wait3A_156 = arith.constant 0 : i32
      %dma_wait3A_157 = arith.constant 0 : i32
      %dma_wait3A_158 = tpu.memref_slice %arg4[%dma_wait3A_156, %dma_wait3A_157] : memref<100000x128xf32, #tpu.memory_space<hbm>> -> memref<100000x128xf32, #tpu.memory_space<hbm>>
      tpu.wait_indirect_dma semaphore(%arg20 : memref<!tpu.dma_semaphore, #tpu.memory_space<semaphore_mem>>) src(%dma_wait3A_158 : memref<100000x128xf32, #tpu.memory_space<hbm>>) dst(%arg12 : memref<64x128xf32, #tpu.memory_space<vmem>>)
      %dma_wait3A_159 = tpu.memref_slice %arg8[%mul3A_154] : memref<25600xi32, #tpu.memory_space<vmem>> -> memref<64xi32, #tpu.memory_space<vmem>>
      %dma_wait3A_160 = arith.constant 0 : i32
      %dma_wait3A_161 = arith.constant 0 : i32
      %dma_wait3A_162 = tpu.memref_slice %arg5[%dma_wait3A_160, %dma_wait3A_161] : memref<1000x128xf32, #tpu.memory_space<hbm>> -> memref<1000x128xf32, #tpu.memory_space<hbm>>
      tpu.wait_indirect_dma semaphore(%arg20 : memref<!tpu.dma_semaphore, #tpu.memory_space<semaphore_mem>>) src(%dma_wait3A_162 : memref<1000x128xf32, #tpu.memory_space<hbm>>) dst(%arg16 : memref<64x128xf32, #tpu.memory_space<vmem>>)
      %scan3A_163 = arith.constant 0 : i32
      %scan3A_164 = arith.constant 0 : i32
      %scan3A_165 = arith.constant 64 : i32
      %scan3A_166 = arith.addi %scan3A_164, %scan3A_165 : i32
      %scan3A_167 = arith.constant 2 : i32
      scf.for %scan3A_176 = %scan3A_164 to %scan3A_166 step %scan3A_167  : i32 {
        %get3A = arith.index_cast %scan3A_176 : i32 to index
        %get3A_177 = arith.constant 0 : index
        %get3A_178 = tpu.vector_load %arg16[%get3A, %get3A_177] {strides = array<i32>} : memref<64x128xf32, #tpu.memory_space<vmem>>, vector<1x16xf32>,
        %get3A_179 = vector.shape_cast %get3A_178 : vector<1x16xf32> to vector<16xf32>
        %swap3A = arith.index_cast %scan3A_176 : i32 to index
        %swap3A_180 = arith.constant 0 : index
        %swap3A_181 = tpu.vector_load %arg12[%swap3A, %swap3A_180] {strides = array<i32>} : memref<64x128xf32, #tpu.memory_space<vmem>>, vector<1x16xf32>,
        %swap3A_182 = vector.shape_cast %swap3A_181 : vector<1x16xf32> to vector<16xf32>
        %swap3A_183 = vector.shape_cast %get3A_179 : vector<16xf32> to vector<1x16xf32>
        tpu.vector_store %arg12[%swap3A, %swap3A_180], %swap3A_183 {add = true, strides = array<i32>} : memref<64x128xf32, #tpu.memory_space<vmem>>, vector<1x16xf32>,
        %get3A_184 = arith.index_cast %scan3A_176 : i32 to index
        %get3A_185 = arith.constant 16 : index
        %get3A_186 = tpu.vector_load %arg16[%get3A_184, %get3A_185] {strides = array<i32>} : memref<64x128xf32, #tpu.memory_space<vmem>>, vector<1x16xf32>,
        %get3A_187 = vector.shape_cast %get3A_186 : vector<1x16xf32> to vector<16xf32>
        %swap3A_188 = arith.index_cast %scan3A_176 : i32 to index
        %swap3A_189 = arith.constant 16 : index
        %swap3A_190 = tpu.vector_load %arg12[%swap3A_188, %swap3A_189] {strides = array<i32>} : memref<64x128xf32, #tpu.memory_space<vmem>>, vector<1x16xf32>,
        %swap3A_191 = vector.shape_cast %swap3A_190 : vector<1x16xf32> to vector<16xf32>
        %swap3A_192 = vector.shape_cast %get3A_187 : vector<16xf32> to vector<1x16xf32>
        tpu.vector_store %arg12[%swap3A_188, %swap3A_189], %swap3A_192 {add = true, strides = array<i32>} : memref<64x128xf32, #tpu.memory_space<vmem>>, vector<1x16xf32>,
        %get3A_193 = arith.index_cast %scan3A_176 : i32 to index
        %get3A_194 = arith.constant 32 : index
        %get3A_195 = tpu.vector_load %arg16[%get3A_193, %get3A_194] {strides = array<i32>} : memref<64x128xf32, #tpu.memory_space<vmem>>, vector<1x16xf32>,
        %get3A_196 = vector.shape_cast %get3A_195 : vector<1x16xf32> to vector<16xf32>
        %swap3A_197 = arith.index_cast %scan3A_176 : i32 to index
        %swap3A_198 = arith.constant 32 : index
        %swap3A_199 = tpu.vector_load %arg12[%swap3A_197, %swap3A_198] {strides = array<i32>} : memref<64x128xf32, #tpu.memory_space<vmem>>, vector<1x16xf32>,
        %swap3A_200 = vector.shape_cast %swap3A_199 : vector<1x16xf32> to vector<16xf32>
        %swap3A_201 = vector.shape_cast %get3A_196 : vector<16xf32> to vector<1x16xf32>
        tpu.vector_store %arg12[%swap3A_197, %swap3A_198], %swap3A_201 {add = true, strides = array<i32>} : memref<64x128xf32, #tpu.memory_space<vmem>>, vector<1x16xf32>,
        %get3A_202 = arith.index_cast %scan3A_176 : i32 to index
        %get3A_203 = arith.constant 48 : index
        %get3A_204 = tpu.vector_load %arg16[%get3A_202, %get3A_203] {strides = array<i32>} : memref<64x128xf32, #tpu.memory_space<vmem>>, vector<1x16xf32>,
        %get3A_205 = vector.shape_cast %get3A_204 : vector<1x16xf32> to vector<16xf32>
        %swap3A_206 = arith.index_cast %scan3A_176 : i32 to index
        %swap3A_207 = arith.constant 48 : index
        %swap3A_208 = tpu.vector_load %arg12[%swap3A_206, %swap3A_207] {strides = array<i32>} : memref<64x128xf32, #tpu.memory_space<vmem>>, vector<1x16xf32>,
        %swap3A_209 = vector.shape_cast %swap3A_208 : vector<1x16xf32> to vector<16xf32>
        %swap3A_210 = vector.shape_cast %get3A_205 : vector<16xf32> to vector<1x16xf32>
        tpu.vector_store %arg12[%swap3A_206, %swap3A_207], %swap3A_210 {add = true, strides = array<i32>} : memref<64x128xf32, #tpu.memory_space<vmem>>, vector<1x16xf32>,
        %get3A_211 = arith.index_cast %scan3A_176 : i32 to index
        %get3A_212 = arith.constant 64 : index
        %get3A_213 = tpu.vector_load %arg16[%get3A_211, %get3A_212] {strides = array<i32>} : memref<64x128xf32, #tpu.memory_space<vmem>>, vector<1x16xf32>,
        %get3A_214 = vector.shape_cast %get3A_213 : vector<1x16xf32> to vector<16xf32>
        %swap3A_215 = arith.index_cast %scan3A_176 : i32 to index
        %swap3A_216 = arith.constant 64 : index
        %swap3A_217 = tpu.vector_load %arg12[%swap3A_215, %swap3A_216] {strides = array<i32>} : memref<64x128xf32, #tpu.memory_space<vmem>>, vector<1x16xf32>,
        %swap3A_218 = vector.shape_cast %swap3A_217 : vector<1x16xf32> to vector<16xf32>
        %swap3A_219 = vector.shape_cast %get3A_214 : vector<16xf32> to vector<1x16xf32>
        tpu.vector_store %arg12[%swap3A_215, %swap3A_216], %swap3A_219 {add = true, strides = array<i32>} : memref<64x128xf32, #tpu.memory_space<vmem>>, vector<1x16xf32>,
        %get3A_220 = arith.index_cast %scan3A_176 : i32 to index
        %get3A_221 = arith.constant 80 : index
        %get3A_222 = tpu.vector_load %arg16[%get3A_220, %get3A_221] {strides = array<i32>} : memref<64x128xf32, #tpu.memory_space<vmem>>, vector<1x16xf32>,
        %get3A_223 = vector.shape_cast %get3A_222 : vector<1x16xf32> to vector<16xf32>
        %swap3A_224 = arith.index_cast %scan3A_176 : i32 to index
        %swap3A_225 = arith.constant 80 : index
        %swap3A_226 = tpu.vector_load %arg12[%swap3A_224, %swap3A_225] {strides = array<i32>} : memref<64x128xf32, #tpu.memory_space<vmem>>, vector<1x16xf32>,
        %swap3A_227 = vector.shape_cast %swap3A_226 : vector<1x16xf32> to vector<16xf32>
        %swap3A_228 = vector.shape_cast %get3A_223 : vector<16xf32> to vector<1x16xf32>
        tpu.vector_store %arg12[%swap3A_224, %swap3A_225], %swap3A_228 {add = true, strides = array<i32>} : memref<64x128xf32, #tpu.memory_space<vmem>>, vector<1x16xf32>,
        %get3A_229 = arith.index_cast %scan3A_176 : i32 to index
        %get3A_230 = arith.constant 96 : index
        %get3A_231 = tpu.vector_load %arg16[%get3A_229, %get3A_230] {strides = array<i32>} : memref<64x128xf32, #tpu.memory_space<vmem>>, vector<1x16xf32>,
        %get3A_232 = vector.shape_cast %get3A_231 : vector<1x16xf32> to vector<16xf32>
        %swap3A_233 = arith.index_cast %scan3A_176 : i32 to index
        %swap3A_234 = arith.constant 96 : index
        %swap3A_235 = tpu.vector_load %arg12[%swap3A_233, %swap3A_234] {strides = array<i32>} : memref<64x128xf32, #tpu.memory_space<vmem>>, vector<1x16xf32>,
        %swap3A_236 = vector.shape_cast %swap3A_235 : vector<1x16xf32> to vector<16xf32>
        %swap3A_237 = vector.shape_cast %get3A_232 : vector<16xf32> to vector<1x16xf32>
        tpu.vector_store %arg12[%swap3A_233, %swap3A_234], %swap3A_237 {add = true, strides = array<i32>} : memref<64x128xf32, #tpu.memory_space<vmem>>, vector<1x16xf32>,
        %get3A_238 = arith.index_cast %scan3A_176 : i32 to index
        %get3A_239 = arith.constant 112 : index
        %get3A_240 = tpu.vector_load %arg16[%get3A_238, %get3A_239] {strides = array<i32>} : memref<64x128xf32, #tpu.memory_space<vmem>>, vector<1x16xf32>,
        %get3A_241 = vector.shape_cast %get3A_240 : vector<1x16xf32> to vector<16xf32>
        %swap3A_242 = arith.index_cast %scan3A_176 : i32 to index
        %swap3A_243 = arith.constant 112 : index
        %swap3A_244 = tpu.vector_load %arg12[%swap3A_242, %swap3A_243] {strides = array<i32>} : memref<64x128xf32, #tpu.memory_space<vmem>>, vector<1x16xf32>,
        %swap3A_245 = vector.shape_cast %swap3A_244 : vector<1x16xf32> to vector<16xf32>
        %swap3A_246 = vector.shape_cast %get3A_241 : vector<16xf32> to vector<1x16xf32>
        tpu.vector_store %arg12[%swap3A_242, %swap3A_243], %swap3A_246 {add = true, strides = array<i32>} : memref<64x128xf32, #tpu.memory_space<vmem>>, vector<1x16xf32>,
        %scan3A_247 = arith.constant 1 : i32
        %scan3A_248 = arith.addi %scan3A_176, %scan3A_247 : i32
        %get3A_249 = arith.index_cast %scan3A_248 : i32 to index
        %get3A_250 = arith.constant 0 : index
        %get3A_251 = tpu.vector_load %arg16[%get3A_249, %get3A_250] {strides = array<i32>} : memref<64x128xf32, #tpu.memory_space<vmem>>, vector<1x16xf32>,
        %get3A_252 = vector.shape_cast %get3A_251 : vector<1x16xf32> to vector<16xf32>
        %swap3A_253 = arith.index_cast %scan3A_248 : i32 to index
        %swap3A_254 = arith.constant 0 : index
        %swap3A_255 = tpu.vector_load %arg12[%swap3A_253, %swap3A_254] {strides = array<i32>} : memref<64x128xf32, #tpu.memory_space<vmem>>, vector<1x16xf32>,
        %swap3A_256 = vector.shape_cast %swap3A_255 : vector<1x16xf32> to vector<16xf32>
        %swap3A_257 = vector.shape_cast %get3A_252 : vector<16xf32> to vector<1x16xf32>
        tpu.vector_store %arg12[%swap3A_253, %swap3A_254], %swap3A_257 {add = true, strides = array<i32>} : memref<64x128xf32, #tpu.memory_space<vmem>>, vector<1x16xf32>,
        %get3A_258 = arith.index_cast %scan3A_248 : i32 to index
        %get3A_259 = arith.constant 16 : index
        %get3A_260 = tpu.vector_load %arg16[%get3A_258, %get3A_259] {strides = array<i32>} : memref<64x128xf32, #tpu.memory_space<vmem>>, vector<1x16xf32>,
        %get3A_261 = vector.shape_cast %get3A_260 : vector<1x16xf32> to vector<16xf32>
        %swap3A_262 = arith.index_cast %scan3A_248 : i32 to index
        %swap3A_263 = arith.constant 16 : index
        %swap3A_264 = tpu.vector_load %arg12[%swap3A_262, %swap3A_263] {strides = array<i32>} : memref<64x128xf32, #tpu.memory_space<vmem>>, vector<1x16xf32>,
        %swap3A_265 = vector.shape_cast %swap3A_264 : vector<1x16xf32> to vector<16xf32>
        %swap3A_266 = vector.shape_cast %get3A_261 : vector<16xf32> to vector<1x16xf32>
        tpu.vector_store %arg12[%swap3A_262, %swap3A_263], %swap3A_266 {add = true, strides = array<i32>} : memref<64x128xf32, #tpu.memory_space<vmem>>, vector<1x16xf32>,
        %get3A_267 = arith.index_cast %scan3A_248 : i32 to index
        %get3A_268 = arith.constant 32 : index
        %get3A_269 = tpu.vector_load %arg16[%get3A_267, %get3A_268] {strides = array<i32>} : memref<64x128xf32, #tpu.memory_space<vmem>>, vector<1x16xf32>,
        %get3A_270 = vector.shape_cast %get3A_269 : vector<1x16xf32> to vector<16xf32>
        %swap3A_271 = arith.index_cast %scan3A_248 : i32 to index
        %swap3A_272 = arith.constant 32 : index
        %swap3A_273 = tpu.vector_load %arg12[%swap3A_271, %swap3A_272] {strides = array<i32>} : memref<64x128xf32, #tpu.memory_space<vmem>>, vector<1x16xf32>,
        %swap3A_274 = vector.shape_cast %swap3A_273 : vector<1x16xf32> to vector<16xf32>
        %swap3A_275 = vector.shape_cast %get3A_270 : vector<16xf32> to vector<1x16xf32>
        tpu.vector_store %arg12[%swap3A_271, %swap3A_272], %swap3A_275 {add = true, strides = array<i32>} : memref<64x128xf32, #tpu.memory_space<vmem>>, vector<1x16xf32>,
        %get3A_276 = arith.index_cast %scan3A_248 : i32 to index
        %get3A_277 = arith.constant 48 : index
        %get3A_278 = tpu.vector_load %arg16[%get3A_276, %get3A_277] {strides = array<i32>} : memref<64x128xf32, #tpu.memory_space<vmem>>, vector<1x16xf32>,
        %get3A_279 = vector.shape_cast %get3A_278 : vector<1x16xf32> to vector<16xf32>
        %swap3A_280 = arith.index_cast %scan3A_248 : i32 to index
        %swap3A_281 = arith.constant 48 : index
        %swap3A_282 = tpu.vector_load %arg12[%swap3A_280, %swap3A_281] {strides = array<i32>} : memref<64x128xf32, #tpu.memory_space<vmem>>, vector<1x16xf32>,
        %swap3A_283 = vector.shape_cast %swap3A_282 : vector<1x16xf32> to vector<16xf32>
        %swap3A_284 = vector.shape_cast %get3A_279 : vector<16xf32> to vector<1x16xf32>
        tpu.vector_store %arg12[%swap3A_280, %swap3A_281], %swap3A_284 {add = true, strides = array<i32>} : memref<64x128xf32, #tpu.memory_space<vmem>>, vector<1x16xf32>,
        %get3A_285 = arith.index_cast %scan3A_248 : i32 to index
        %get3A_286 = arith.constant 64 : index
        %get3A_287 = tpu.vector_load %arg16[%get3A_285, %get3A_286] {strides = array<i32>} : memref<64x128xf32, #tpu.memory_space<vmem>>, vector<1x16xf32>,
        %get3A_288 = vector.shape_cast %get3A_287 : vector<1x16xf32> to vector<16xf32>
        %swap3A_289 = arith.index_cast %scan3A_248 : i32 to index
        %swap3A_290 = arith.constant 64 : index
        %swap3A_291 = tpu.vector_load %arg12[%swap3A_289, %swap3A_290] {strides = array<i32>} : memref<64x128xf32, #tpu.memory_space<vmem>>, vector<1x16xf32>,
        %swap3A_292 = vector.shape_cast %swap3A_291 : vector<1x16xf32> to vector<16xf32>
        %swap3A_293 = vector.shape_cast %get3A_288 : vector<16xf32> to vector<1x16xf32>
        tpu.vector_store %arg12[%swap3A_289, %swap3A_290], %swap3A_293 {add = true, strides = array<i32>} : memref<64x128xf32, #tpu.memory_space<vmem>>, vector<1x16xf32>,
        %get3A_294 = arith.index_cast %scan3A_248 : i32 to index
        %get3A_295 = arith.constant 80 : index
        %get3A_296 = tpu.vector_load %arg16[%get3A_294, %get3A_295] {strides = array<i32>} : memref<64x128xf32, #tpu.memory_space<vmem>>, vector<1x16xf32>,
        %get3A_297 = vector.shape_cast %get3A_296 : vector<1x16xf32> to vector<16xf32>
        %swap3A_298 = arith.index_cast %scan3A_248 : i32 to index
        %swap3A_299 = arith.constant 80 : index
        %swap3A_300 = tpu.vector_load %arg12[%swap3A_298, %swap3A_299] {strides = array<i32>} : memref<64x128xf32, #tpu.memory_space<vmem>>, vector<1x16xf32>,
        %swap3A_301 = vector.shape_cast %swap3A_300 : vector<1x16xf32> to vector<16xf32>
        %swap3A_302 = vector.shape_cast %get3A_297 : vector<16xf32> to vector<1x16xf32>
        tpu.vector_store %arg12[%swap3A_298, %swap3A_299], %swap3A_302 {add = true, strides = array<i32>} : memref<64x128xf32, #tpu.memory_space<vmem>>, vector<1x16xf32>,
        %get3A_303 = arith.index_cast %scan3A_248 : i32 to index
        %get3A_304 = arith.constant 96 : index
        %get3A_305 = tpu.vector_load %arg16[%get3A_303, %get3A_304] {strides = array<i32>} : memref<64x128xf32, #tpu.memory_space<vmem>>, vector<1x16xf32>,
        %get3A_306 = vector.shape_cast %get3A_305 : vector<1x16xf32> to vector<16xf32>
        %swap3A_307 = arith.index_cast %scan3A_248 : i32 to index
        %swap3A_308 = arith.constant 96 : index
        %swap3A_309 = tpu.vector_load %arg12[%swap3A_307, %swap3A_308] {strides = array<i32>} : memref<64x128xf32, #tpu.memory_space<vmem>>, vector<1x16xf32>,
        %swap3A_310 = vector.shape_cast %swap3A_309 : vector<1x16xf32> to vector<16xf32>
        %swap3A_311 = vector.shape_cast %get3A_306 : vector<16xf32> to vector<1x16xf32>
        tpu.vector_store %arg12[%swap3A_307, %swap3A_308], %swap3A_311 {add = true, strides = array<i32>} : memref<64x128xf32, #tpu.memory_space<vmem>>, vector<1x16xf32>,
        %get3A_312 = arith.index_cast %scan3A_248 : i32 to index
        %get3A_313 = arith.constant 112 : index
        %get3A_314 = tpu.vector_load %arg16[%get3A_312, %get3A_313] {strides = array<i32>} : memref<64x128xf32, #tpu.memory_space<vmem>>, vector<1x16xf32>,
        %get3A_315 = vector.shape_cast %get3A_314 : vector<1x16xf32> to vector<16xf32>
        %swap3A_316 = arith.index_cast %scan3A_248 : i32 to index
        %swap3A_317 = arith.constant 112 : index
        %swap3A_318 = tpu.vector_load %arg12[%swap3A_316, %swap3A_317] {strides = array<i32>} : memref<64x128xf32, #tpu.memory_space<vmem>>, vector<1x16xf32>,
        %swap3A_319 = vector.shape_cast %swap3A_318 : vector<1x16xf32> to vector<16xf32>
        %swap3A_320 = vector.shape_cast %get3A_315 : vector<16xf32> to vector<1x16xf32>
        tpu.vector_store %arg12[%swap3A_316, %swap3A_317], %swap3A_320 {add = true, strides = array<i32>} : memref<64x128xf32, #tpu.memory_space<vmem>>, vector<1x16xf32>,
      }
      %scan3A_168 = arith.constant 64 : i32
      %mul3A_169 = arith.constant 64 : i32
      %mul3A_170 = arith.muli %add3A_145, %mul3A_169 : i32
      %add3A_171 = arith.addi %mul3A_2, %mul3A_170 : i32
      %dma_start3A_172 = arith.constant 0 : i32
      %dma_start3A_173 = tpu.memref_slice %arg6[%add3A_171, %dma_start3A_172] : memref<819200x128xf32, #tpu.memory_space<hbm>> -> memref<64x128xf32, #tpu.memory_space<hbm>>
      %dma_start3A_174 = arith.constant 0 : i32
      %dma_start3A_175 = tpu.memref_slice %arg6[%add3A_171, %dma_start3A_174] : memref<819200x128xf32, #tpu.memory_space<hbm>> -> memref<64x128xf32, #tpu.memory_space<hbm>>
      tpu.enqueue_dma source(%arg12 : memref<64x128xf32, #tpu.memory_space<vmem>>) target(%dma_start3A_175 : memref<64x128xf32, #tpu.memory_space<hbm>>) target_semaphore(%arg24 : memref<!tpu.dma_semaphore, #tpu.memory_space<semaphore_mem>>)
    }
    %scan3A_26 = arith.constant 100 : i32
    %dma_wait3A = arith.constant 0 : i32
    %dma_wait3A_27 = tpu.memref_slice %arg6[%mul3A_2, %dma_wait3A] : memref<819200x128xf32, #tpu.memory_space<hbm>> -> memref<64x128xf32, #tpu.memory_space<hbm>>
    %dma_wait3A_28 = arith.constant 0 : i32
    %dma_wait3A_29 = tpu.memref_slice %arg6[%mul3A_2, %dma_wait3A_28] : memref<819200x128xf32, #tpu.memory_space<hbm>> -> memref<64x128xf32, #tpu.memory_space<hbm>>
    tpu.wait_dma2 semaphore(%arg21 : memref<!tpu.dma_semaphore, #tpu.memory_space<semaphore_mem>>) src(%arg9 : memref<64x128xf32, #tpu.memory_space<vmem>>) dst(%dma_wait3A_29 : memref<64x128xf32, #tpu.memory_space<hbm>>)
    %dma_wait3A_30 = arith.constant 0 : i32
    %dma_wait3A_31 = tpu.memref_slice %arg6[%mul3A_2, %dma_wait3A_30] : memref<819200x128xf32, #tpu.memory_space<hbm>> -> memref<64x128xf32, #tpu.memory_space<hbm>>
    %dma_wait3A_32 = arith.constant 0 : i32
    %dma_wait3A_33 = tpu.memref_slice %arg6[%mul3A_2, %dma_wait3A_32] : memref<819200x128xf32, #tpu.memory_space<hbm>> -> memref<64x128xf32, #tpu.memory_space<hbm>>
    tpu.wait_dma2 semaphore(%arg22 : memref<!tpu.dma_semaphore, #tpu.memory_space<semaphore_mem>>) src(%arg10 : memref<64x128xf32, #tpu.memory_space<vmem>>) dst(%dma_wait3A_33 : memref<64x128xf32, #tpu.memory_space<hbm>>)
    %dma_wait3A_34 = arith.constant 0 : i32
    %dma_wait3A_35 = tpu.memref_slice %arg6[%mul3A_2, %dma_wait3A_34] : memref<819200x128xf32, #tpu.memory_space<hbm>> -> memref<64x128xf32, #tpu.memory_space<hbm>>
    %dma_wait3A_36 = arith.constant 0 : i32
    %dma_wait3A_37 = tpu.memref_slice %arg6[%mul3A_2, %dma_wait3A_36] : memref<819200x128xf32, #tpu.memory_space<hbm>> -> memref<64x128xf32, #tpu.memory_space<hbm>>
    tpu.wait_dma2 semaphore(%arg23 : memref<!tpu.dma_semaphore, #tpu.memory_space<semaphore_mem>>) src(%arg11 : memref<64x128xf32, #tpu.memory_space<vmem>>) dst(%dma_wait3A_37 : memref<64x128xf32, #tpu.memory_space<hbm>>)
    %dma_wait3A_38 = arith.constant 0 : i32
    %dma_wait3A_39 = tpu.memref_slice %arg6[%mul3A_2, %dma_wait3A_38] : memref<819200x128xf32, #tpu.memory_space<hbm>> -> memref<64x128xf32, #tpu.memory_space<hbm>>
    %dma_wait3A_40 = arith.constant 0 : i32
    %dma_wait3A_41 = tpu.memref_slice %arg6[%mul3A_2, %dma_wait3A_40] : memref<819200x128xf32, #tpu.memory_space<hbm>> -> memref<64x128xf32, #tpu.memory_space<hbm>>
    tpu.wait_dma2 semaphore(%arg24 : memref<!tpu.dma_semaphore, #tpu.memory_space<semaphore_mem>>) src(%arg12 : memref<64x128xf32, #tpu.memory_space<vmem>>) dst(%dma_wait3A_41 : memref<64x128xf32, #tpu.memory_space<hbm>>)
    return
  }
}

module attributes {stable_mosaic.version = 14 : i64} {
  func.func @_proj_res_body(%arg0: i32, %arg1: memref<2000x64xf32, #tpu.memory_space<vmem>>, %arg2: memref<64x128xf32, #tpu.memory_space<vmem>>, %arg3: memref<2000x128xf32, #tpu.memory_space<vmem>>) attributes {dimension_semantics = [#tpu.dimension_semantics<arbitrary>], iteration_bounds = array<i64: 50>, scalar_prefetch = 0 : i64, scratch_operands = 0 : i64, tpu.core_type = #tpu.core_type<tc>, window_params = [{transform_indices = @transform_0, window_bounds = array<i64: 2000, 64>}, {pipeline_mode = #tpu.pipeline_mode<synchronous>, transform_indices = @transform_1, window_bounds = array<i64: 64, 128>}, {transform_indices = @transform_2, window_bounds = array<i64: 2000, 128>}]} {
    %get3A = arith.constant 0 : index
    %get3A_0 = arith.constant 0 : index
    %get3A_1 = vector.load %arg1[%get3A, %get3A_0] : memref<2000x64xf32, #tpu.memory_space<vmem>>, vector<2000x64xf32>
    %get3A_2 = arith.constant 0 : index
    %get3A_3 = arith.constant 0 : index
    %get3A_4 = vector.load %arg2[%get3A_2, %get3A_3] : memref<64x128xf32, #tpu.memory_space<vmem>>, vector<64x128xf32>
    %dot_general3A = arith.constant dense<0.000000e+00> : vector<2000x128xf32>
    %dot_general3A_5 = tpu.matmul %get3A_1, %get3A_4, %dot_general3A {dimension_numbers = #tpu.dot_dimension_numbers<[1], [0], [0], [1], [0, 0, 1, 1], [], []>, transpose_lhs_hint = false} : vector<2000x64xf32>, vector<64x128xf32>, vector<2000x128xf32> -> vector<2000x128xf32>
    %swap3A = arith.constant 0 : index
    %swap3A_6 = arith.constant 0 : index
    %swap3A_7 = vector.load %arg3[%swap3A, %swap3A_6] : memref<2000x128xf32, #tpu.memory_space<vmem>>, vector<2000x128xf32>
    tpu.vector_store %arg3[%swap3A, %swap3A_6], %dot_general3A_5 {strides = array<i32>} : memref<2000x128xf32, #tpu.memory_space<vmem>>, vector<2000x128xf32>,
    return
  }
  func.func @transform_0(%arg0: i32) -> (i32, i32) {
    %c0_i32 = arith.constant 0 : i32
    %c0_i32_0 = arith.constant 0 : i32
    return %arg0, %c0_i32 : i32, i32
  }
  func.func @transform_1(%arg0: i32) -> (i32, i32) {
    %c0_i32 = arith.constant 0 : i32
    %c0_i32_0 = arith.constant 0 : i32
    %c0_i32_1 = arith.constant 0 : i32
    return %c0_i32, %c0_i32_0 : i32, i32
  }
  func.func @transform_2(%arg0: i32) -> (i32, i32) {
    %c0_i32 = arith.constant 0 : i32
    %c0_i32_0 = arith.constant 0 : i32
    return %arg0, %c0_i32 : i32, i32
  }
}

module attributes {stable_mosaic.version = 14 : i64} {
  func.func @_proj_mod_body(%arg0: memref<1000x32xf32, #tpu.memory_space<vmem>>, %arg1: memref<32x128xf32, #tpu.memory_space<vmem>>, %arg2: memref<1x128xf32, #tpu.memory_space<vmem>>, %arg3: memref<1000x128xf32, #tpu.memory_space<vmem>>) attributes {dimension_semantics = [], scalar_prefetch = 0 : i64, scratch_operands = 0 : i64, tpu.core_type = #tpu.core_type<tc>} {
    %get3A = arith.constant 0 : index
    %get3A_0 = arith.constant 0 : index
    %get3A_1 = vector.load %arg0[%get3A, %get3A_0] : memref<1000x32xf32, #tpu.memory_space<vmem>>, vector<1000x32xf32>
    %get3A_2 = arith.constant 0 : index
    %get3A_3 = arith.constant 0 : index
    %get3A_4 = vector.load %arg1[%get3A_2, %get3A_3] : memref<32x128xf32, #tpu.memory_space<vmem>>, vector<32x128xf32>
    %dot_general3A = arith.constant dense<0.000000e+00> : vector<1000x128xf32>
    %dot_general3A_5 = tpu.matmul %get3A_1, %get3A_4, %dot_general3A {dimension_numbers = #tpu.dot_dimension_numbers<[1], [0], [0], [1], [0, 0, 1, 1], [], []>, transpose_lhs_hint = false} : vector<1000x32xf32>, vector<32x128xf32>, vector<1000x128xf32> -> vector<1000x128xf32>
    %get3A_6 = arith.constant 0 : index
    %get3A_7 = arith.constant 0 : index
    %get3A_8 = vector.load %arg2[%get3A_6, %get3A_7] : memref<1x128xf32, #tpu.memory_space<vmem>>, vector<1x128xf32>
    %add3A = vector.broadcast %get3A_8 : vector<1x128xf32> to vector<1000x128xf32>
    %add3A_9 = arith.addf %dot_general3A_5, %add3A : vector<1000x128xf32>
    %swap3A = arith.constant 0 : index
    %swap3A_10 = arith.constant 0 : index
    %swap3A_11 = vector.load %arg3[%swap3A, %swap3A_10] : memref<1000x128xf32, #tpu.memory_space<vmem>>, vector<1000x128xf32>
    tpu.vector_store %arg3[%swap3A, %swap3A_10], %add3A_9 {strides = array<i32>} : memref<1000x128xf32, #tpu.memory_space<vmem>>, vector<1000x128xf32>,
    return
  }
}

</mosaic_0001>

<sc_bundles>
// kernel: kernel.5.cloned.1.call-start
scs
__scs_entry_jumppad:
0x0: {  	(pc) =	sbr.rel $0x88, $3  }
0x1: {  	(tag) =	ssettag $0x0;
	lr =	simm.s32 $0x1  }
0x2: {  	[smem:$0x3F9B] =	sst lr;
	_ =	strace $0xD0000000  }
0x3: {  	_ = 	snop  }
0x4: {  	_ = 	snop  }
0x5: {  	_ = 	snop  }
0x6: {  	_ = 	snop  }
0x7: {  	_ = 	snop  }
__scs_overlays_trampoline_lowered:
0x8: {  	[smem:$0x3FAA] =	sst s0  }
0x9: {  	[smem:$0x3FAB] =	sst s1  }
0xa: {  	[smem:$0x3FAC] =	sst s2  }
0xb: {  	[smem:$0x3FAD] =	sst s3  }
0xc: {  	[smem:$0x3FAE] =	sst s4  }
0xd: {  	[smem:$0x3FAF] =	sst s5  }
0xe: {  	[smem:$0x3FB0] =	sst s6  }
0xf: {  	[smem:$0x3FB1] =	sst s7  }
0x10: {  	[smem:$0x3FB2] =	sst s8  }
0x11: {  	[smem:$0x3FB3] =	sst s9;
	s0 =	simm.s32 @!p0 $0x0  }
0x12: {  	s1 =	sld [smem:$0x3F99];
	s0 =	simm.s32 @p0 $0x1  }
0x13: {  	[smem:$0x3FB4] =	sst s0;
	s0 =	simm.s32 @!p1 $0x0  }
0x14: {  	s2 =	sld [smem:$0x3F98];
	s0 =	simm.s32 @p1 $0x1  }
0x15: {  	[smem:$0x3FB5] =	sst s0;
	s0 =	simm.s32 @!p2 $0x0  }
0x16: {  	s3 =	sld [smem:$0x3FDB];
	s0 =	simm.s32 @p2 $0x1  }
0x17: {  	s4 =	simm.s32 $0x1BF5;
	[smem:$0x3FB7] =	sst s0  }
0x18: {  	s0 =	sld [smem:$0x3F9A];
	_ =	swait.ge [sflag:s4], $0x0  }
0x19: {  	s7 =	sld [smem:$0x3F9B]  }
0x1a: {  	s8 =	sadd.s32 $0xFFFFE003, lr  }
0x1b: {  	s9 =	sadd.s32 $0xFFFFFEF7, lr;
	s5 =	simm.s32 $0xFFFFFFFF;
	p2 =	slt.u32 s8, $0xFFFFF086  }
0x1c: {  	p1 =	slt.u32 s9, $0xF7A;
	s5 =	simm.s32 @!p2 $0x0  }
0x1d: {  	s5 =	simm.s32 @p1 $0x1;
	p0 =	seq.s32 s7, s2  }
0x1e: {  	s7 =	smul.u32 @!p0 $0xF7A, s2;
	p2 =	seq.s32 @!p0 s5, $0x0  }
0x1f: {  	s9 =	smul.u32 $0xF7A, s1;
	s8 =	simm.s32 @!p0 $0x1BF5;
	p2 =	por !p2, p0  }
0x20: {  	[sflag:s8] =	ssyncset.s32 @!p0 $0xFFFFF086;
	s6 =	sadd.s32 @!p0 s3, s7;
	s7 =	simm.s32 @!p0 $0x108  }
0x21: {  	s3 =	sadd.s32 s3, s9;
	s6 =	sadd.s32 @!p0 $0x88, s6;
	s7 =	simm.s32 @p2 $0x1082  }
0x22: {  	[simem:s7], [sflag:s8] =	dma.local @!p0 [hbm:s6], $0xF7A  }
0x23: {  	s9 =	sor.u32 $0xD0000000, s2;
	s6 =	simm.s32 $0x108;
	_ =	swait.ge @!p0 [sflag:s8], $0x0  }
0x24: {  	s3 =	sadd.s32 $0x88, s3;
	s6 =	simm.s32 @!p1 $0x1082;
	[sflag:s4] =	ssyncset.s32 $0xFFFFF086  }
0x25: {  	[simem:s6], [sflag:s4] =	dma.local [hbm:s3], $0xF7A  }
0x26: {  	[smem:$0x3F9B] =	sst s1;
	(tag) =	ssettag s2;
	_ =	strace s9  }
0x27: {  	s1 =	sld [smem:$0x3FAB]  }
0x28: {  	s2 =	sld [smem:$0x3FAC]  }
0x29: {  	s4 =	sld [smem:$0x3FAE]  }
0x2a: {  	p0 =	seq.s32 s5, $0x0;
	s5 =	sld [smem:$0x3FAF]  }
0x2b: {  	s6 =	sld [smem:$0x3FB0]  }
0x2c: {  	s7 =	sld [smem:$0x3FB1]  }
0x2d: {  	s3 =	simm.s32 $0x108;
	s8 =	sld [smem:$0x3FB2]  }
0x2e: {  	s3 =	simm.s32 @!p0 $0x1082;
	s9 =	sld [smem:$0x3FB3]  }
0x2f: {  	lr =	sadd.s32 s0, s3;
	s0 =	sld [smem:$0x3FAA]  }
0x30: {  	s3 =	sld [smem:$0x3FAD]  }
0x31: {  	[smem:$0x3FB6] =	sst s10  }
0x32: {  	s10 =	sld [smem:$0x3FB4];
	_ =	sdelay $0x3  }
0x33: {  	p0 =	seq.s32 s10, $0x1;
	s10 =	sld [smem:$0x3FB6];
	_ =	sdelay $0x3  }
0x34: {  	[smem:$0x3FB6] =	sst s10  }
0x35: {  	s10 =	sld [smem:$0x3FB5];
	_ =	sdelay $0x3  }
0x36: {  	p1 =	seq.s32 s10, $0x1;
	s10 =	sld [smem:$0x3FB6];
	_ =	sdelay $0x3  }
0x37: {  	[smem:$0x3FB6] =	sst s10  }
0x38: {  	s10 =	sld [smem:$0x3FB7]  }
0x39: {  	_ = 	snop;
	(pc) =	sbr.ind lr, $3  }
0x3a: {  	_ = 	snop  }
0x3b: {  	_ = 	snop  }
0x3c: {  	p2 =	seq.s32 s10, $0x1;
	s10 =	sld [smem:$0x3FB6]  }
0x3d: {  	_ =	shalt  }
0x3e: {  	_ =	shalt  }
0x3f: {  	_ =	shalt  }
0x40: {  	_ =	shalt  }
0x41: {  	_ =	shalt  }
0x42: {  	_ =	shalt  }
0x43: {  	_ =	shalt  }
0x44: {  	_ =	shalt  }
0x45: {  	_ =	shalt  }
0x46: {  	_ =	shalt  }
0x47: {  	_ =	shalt  }
0x48: {  	_ =	shalt  }
0x49: {  	_ =	shalt  }
0x4a: {  	_ =	shalt  }
0x4b: {  	_ =	shalt  }
0x4c: {  	_ =	shalt  }
0x4d: {  	_ =	shalt  }
0x4e: {  	_ =	shalt  }
0x4f: {  	_ =	shalt  }
0x50: {  	_ =	shalt  }
0x51: {  	_ =	shalt  }
0x52: {  	_ =	shalt  }
0x53: {  	_ =	shalt  }
0x54: {  	_ =	shalt  }
0x55: {  	_ =	shalt  }
0x56: {  	_ =	shalt  }
0x57: {  	_ =	shalt  }
0x58: {  	_ =	shalt  }
0x59: {  	_ =	shalt  }
0x5a: {  	_ =	shalt  }
0x5b: {  	_ =	shalt  }
0x5c: {  	_ =	shalt  }
0x5d: {  	_ =	shalt  }
0x5e: {  	_ =	shalt  }
0x5f: {  	_ =	shalt  }
0x60: {  	_ =	shalt  }
0x61: {  	_ =	shalt  }
0x62: {  	_ =	shalt  }
0x63: {  	_ =	shalt  }
0x64: {  	_ =	shalt  }
0x65: {  	_ =	shalt  }
0x66: {  	_ =	shalt  }
0x67: {  	_ =	shalt  }
0x68: {  	_ =	shalt  }
0x69: {  	_ =	shalt  }
0x6a: {  	_ =	shalt  }
0x6b: {  	_ =	shalt  }
0x6c: {  	_ =	shalt  }
0x6d: {  	_ =	shalt  }
0x6e: {  	_ =	shalt  }
0x6f: {  	_ =	shalt  }
0x70: {  	_ =	shalt  }
0x71: {  	_ =	shalt  }
0x72: {  	_ =	shalt  }
0x73: {  	_ =	shalt  }
0x74: {  	_ =	shalt  }
0x75: {  	_ =	shalt  }
0x76: {  	_ =	shalt  }
0x77: {  	_ =	shalt  }
0x78: {  	_ =	shalt  }
0x79: {  	_ =	shalt  }
0x7a: {  	_ =	shalt  }
0x7b: {  	_ =	shalt  }
0x7c: {  	_ =	shalt  }
0x7d: {  	_ =	shalt  }
0x7e: {  	_ =	shalt  }
0x7f: {  	_ =	shalt  }
0x80: {  	_ =	shalt  }
0x81: {  	_ =	shalt  }
0x82: {  	_ =	shalt  }
0x83: {  	_ =	shalt  }
0x84: {  	_ =	shalt  }
0x85: {  	_ =	shalt  }
0x86: {  	_ =	shalt  }
0x87: {  	_ =	shalt  }
.Lfunc_end0:
.L_simem_size_0:
called_computation_lowered:
.L_overlay_start_0:
0x88: {  	s2 =	sld [smem:$0x3FD9]  }
0x89: {  	s3 =	sld [smem:$0x3FFE];
	_ =	sdelay $0x1  }
0x8a: {  	s1 =	srdreg.scid  }
0x8b: {  	s0 =	sand.u32 $0x1, s1  }
0x8c: {  	s17 =	sshll.u32 s0, $0xA;
	s2 =	sadd.s32 s3, s2  }
0x8d: {  	s2 =	sadd.s32 s2, s17  }
0x8e: {  	[smem:$0x3FC2] =	sst s2  }
0x8f: {  	_ = 	snop  }
0x90: {  	s2 =	sld [smem:$0x3FD0];
	(tm) =	ssettm $0x1  }
0x91: {  	s18 =	sld [smem:$0x3FFB];
	_ =	sdelay $0x3  }
0x92: {  	_ =	strace s18  }
0x93: {  	s3 =	sld [smem:$0x3FFC];
	_ =	sdelay $0x3  }
0x94: {  	_ =	strace s3  }
0x95: {  	s3 =	sld [smem:$0x3FFD];
	_ =	sdelay $0x3  }
0x96: {  	_ =	strace s3  }
0x97: {  	_ =	strace $0x8FFFFFFF  }
0x98: {  	s19 =	sld [smem:$0x3FDB];
	_ =	sdelay $0x1  }
0x99: {  	s4 =	simm.s32 $_scs_section_size  }
0x9a: {  	s5 =	simm.s32 $_size__tile_overlayer_lowered;
	s6 =	simm.s32 $_tile_overlayer_lowered  }
0x9b: {  	s22 =	simm.s32 $0x1BFF;
	s21 =	sshll.u32 s6, $0x1;
	s3 =	sadd.s32 s4, s19  }
0x9c: {  	s7 =	simm.s32 $0x0;
	s20 =	sshll.u32 s5, $0x1;
	s5 =	sadd.s32 s21, s3  }
0x9d: {  	[timem:s7], [sflag:s22] =	dma.local [hbm:s5], s20  }
0x9e: {  	_ =	swait.ge [sflag:s22], s20  }
0x9f: {  	s4 =	ssub.s32 $0x0, s20;
	[sflag:s22] =	ssyncset.done $0x0  }
0xa0: {  	[sflag:s22] =	ssyncadd.s32 s4;
	_ =	sdelay $0x1  }
0xa1: {  	s23 =	simm.s32 $0x1B8B  }
0xa2: {  	_ =	swait.ge [sflag:s23], $0x1  }
0xa3: {  	[sflag:s23] =	ssyncset.done $0x0  }
0xa4: {  	s25 =	simm.s32 $0x1B8E;
	s24 =	sld [smem:$0x3FFE];
	[sflag:s23] =	ssyncadd.s32 $0xFFFFFFFF  }
0xa5: {  	s26 =	simm.s32 $execute0_lowered;
	[smem:$0x3FD2] =	sst s25  }
0xa6: {  	s5 =	sshll.u32 s26, $0x1;
	_ =	strace $0x80000046;
	[dreg:$0x1] =	wrdreg $0xFFFFFFFF  }
0xa7: {  	s28 =	simm.s32 $_size_execute0_lowered;
	s3 =	sadd.s32 s3, s5;
	[dreg:$0x0] =	wrdreg $0x0  }
0xa8: {  	s5 =	sshll.u32 s28, $0x1;
	[dreg:$0x2] =	wrdreg s3  }
0xa9: {  	[dreg:$0x3] =	wrdreg s5  }
0xaa: {  	[dreg:$0x4] =	wrdreg $0xC0  }
0xab: {  	_ =	task [dreg:s7], $0x5FFFF  }
0xac: {  	[dreg:$0x1] =	wrdreg $0xFFFFFFFF  }
0xad: {  	[dreg:$0x0] =	wrdreg $0x60  }
0xae: {  	[dreg:$0x2] =	wrdreg s24  }
0xaf: {  	[dreg:$0x3] =	wrdreg s2  }
0xb0: {  	[dreg:$0x4] =	wrdreg $0x9  }
0xb1: {  	_ =	task.clear_ibuf [dreg:s7], $0x5FFFF;
	_ =	strace $0x90000046  }
0xb2: {  	s29 =	simm.s32 $0x9;
	_ =	strace $0x80000048  }
0xb3: {  	_ =	swait.ge [sflag:s29], $0x1  }
0xb4: {  	[sflag:s29] =	ssyncadd.s32 $0xFFFFFFFF  }
0xb5: {  	_ =	strace $0x90000048  }
0xb6: {  	_ =	sfence  }
0xb7: {  	s30 =	sld [smem:$0x0];
	_ =	sdelay $0x2  }
0xb8: {  	s31 =	sshll.u32 s1, $0xD;
	s1 =	sshrl.u32 s1, $0x2  }
0xb9: {  	s3 =	sand.u32 $0x4000, s31;
	s1 =	sadd.s32 s1, s30  }
0xba: {  	s0 =	sor.u32 s3, s0;
	s1 =	sshll.u32 s1, $0x11  }
0xbb: {  	s0 =	sor.u32 s1, s0  }
0xbc: {  	s0 =	sadd.s32 $0x8F2B, s0  }
0xbd: {  	[sflag:s0] =	ssyncadd.remote.s32 $0x1  }
0xbe: {  	_ =	sfence.sel $0xFFFF  }
0xbf: {  	[dreg:$0x0] =	wrdreg $0xFFFFFFFF;
	(pc) =	sbr.abs _section_cstart, $3  }
0xc0: {  	[dreg:$0x1] =	wrdreg $0xFFFFFFFF  }
0xc1: {  	_ =	task.clear_ibuf [dreg:s7], $0x2FFFF;
	_ =	strace $0x9FFFFFFF  }
0xc2: {  	(tm) =	ssettm $0x7FFFFFFF  }
0xc3: {  	_ =	shalt  }
tec
execute0_lowered:
.L_overlay_start_1:
0x0: {  	(tag) =	ssettag $0x1  }
0x1: {  	s0 =	srdreg.scid  }
0x2: {  	s1 =	stileid.u32;
	s5 =	rddreg [dreg:$0x0]  }
0x3: {  	s2 =	rddreg [dreg:$0x1];
	s3 =	simm.s32 $0x0;
	s11 =	simm.s32 $0x9  }
0x4: {  	s13 =	simm.s32 $0x40;
	s14 =	simm.s32 $0xC800;
	s16 =	simm.s32 $0xE800  }
0x5: {  	s19 =	simm.s32 $0x10800;
	s20 =	simm.s32 $0x18800;
	s21 =	simm.s32 $0x1  }
0x6: {  	s22 =	simm.s32 $0x12800;
	s23 =	simm.s32 $0x1A800;
	s24 =	simm.s32 $0x2  }
0x7: {  	s25 =	simm.s32 $0x3;
	s0 =	sand.u32 $0x1, s0;
	s1 =	sshll.u32 s1, $0x1  }
0x8: {  	s28 =	simm.s32 $0x5;
	s29 =	simm.s32 $0x6;
	s1 =	sor.u32 s0, s1  }
0x9: {  	s30 =	simm.s32 $0x7;
	s0 =	ssub.s32 $0x2, s0;
	s6 =	smul.u32 $0x6400, s1  }
0xa: {  	s31 =	simm.s32 $0x8;
	[smem:$0x7FF] =	sst s3;
	s8 =	sshrl.u32 s0, $0x1  }
0xb: {  	_ =	strace $0x80000047;
	s0 =	ssub.s32 s0, s8;
	s4 =	sshrl.u32 s6, $0x3  }
0xc: {  	s8 =	smul.u32 $0x320000, s1;
	s1 =	simm.s32 $0x0;
	s7 =	sadd.s32 s4, s5  }
0xd: {  	s9 =	sor.u32 $0x40, s6;
	s10 =	smax.u32 s0, $0x1;
	s26 =	sadd.s32 $0xA00, s7  }
0xe: {  	s4 =	sadd.s32 $0x32A00, s5;
	s7 =	sadd.s32 $0x19A00, s7;
	[dreg:$0x3] =	wrdreg s26  }
0xf: {  	s5 =	sadd.s32 $0x1B9400, s5;
	[dreg:$0x4] =	wrdreg s7;
	s26 =	simm.s32 $0x4  }
.LBB2_1:
0x10: {  	s0 =	rddreg [dreg:$0x3]  }
0x11: {  	[tilespmem:s3], [sflag:$0x9] =	stream.linear.gather [hbm4b:s0+s3], $0x6400, $0x38;
	[tilespmem:$0x1C800] =	vst v63  }
0x12: {  	_ =	swait.ge [sflag:s11], $0x6400  }
0x13: {  	[sflag:s11] =	ssyncset.done $0x0  }
0x14: {  	s6 =	simm.s32 $0x6400;
	s12 =	rddreg [dreg:$0x4];
	[sflag:s11] =	ssyncadd.s32 $0xFFFF9C00  }
0x15: {  	[tilespmem:s6], [sflag:$0x9] =	stream.linear.gather [hbm4b:s12+s3], $0x6400, $0x38;
	[tilespmem:$0x1C800] =	vst v63  }
0x16: {  	_ =	swait.ge [sflag:s11], $0x6400  }
0x17: {  	[sflag:s11] =	ssyncset.done $0x0  }
0x18: {  	[sflag:s11] =	ssyncadd.s32 $0xFFFF9C00  }
0x19: {  	[tilespmem:s14], [sflag:$0x1] =	stream.indirect.gather [hbm4b:s4+s13], $0x80, s3, s13, $0xb8;
	[tilespmem:$0x1C800] =	vst v63  }
0x1a: {  	s15 =	simm.s32 $0x14800  }
0x1b: {  	[tilespmem:s15], [sflag:$0x1] =	stream.indirect.gather [hbm4b:s5+s13], $0x80, s6, s13, $0xb8;
	[tilespmem:$0x1C800] =	vst v63  }
0x1c: {  	_ = 	snop  }
0x1d: {  	[tilespmem:s16], [sflag:$0x2] =	stream.indirect.gather [hbm4b:s4+s13], $0x80, s13, s13, $0xb8;
	[tilespmem:$0x1C800] =	vst v63  }
0x1e: {  	s17 =	simm.s32 $0x6440;
	s18 =	simm.s32 $0x16800;
	s0 =	simm.s32 $0x0  }
0x1f: {  	[tilespmem:s18], [sflag:$0x2] =	stream.indirect.gather [hbm4b:s5+s13], $0x80, s17, s13, $0xb8;
	[tilespmem:$0x1C800] =	vst v63  }
.LBB2_2:
0x20: {  	p0 =	seq.s32 s0, $0x0  }
0x21: {  	s6 =	simm.s32 @!p0 $0x7  }
0x22: {  	s15 =	sshll.u32 s0, $0x2;
	_ =	swait.ge @!p0 [sflag:s6], $0x2000  }
0x23: {  	s17 =	sor.u32 $0x2, s15;
	[sflag:s6] =	ssyncset.done @!p0 $0x0  }
0x24: {  	s18 =	sshll.u32 s17, $0x6;
	[sflag:s6] =	ssyncadd.s32 @!p0 $0xFFFFE000  }
0x25: {  	[tilespmem:s19], [sflag:$0x3] =	stream.indirect.gather [hbm4b:s4+s13], $0x80, s18, s13, $0xb8;
	[tilespmem:$0x1C800] =	vst v63  }
0x26: {  	s6 =	sadd.s32 $0x6400, s18  }
0x27: {  	[tilespmem:s20], [sflag:$0x3] =	stream.indirect.gather [hbm4b:s5+s13], $0x80, s6, s13, $0xb8;
	[tilespmem:$0x1C800] =	vst v63  }
0x28: {  	_ =	swait.ge [sflag:s21], $0x2000  }
0x29: {  	[sflag:s21] =	ssyncset.done $0x0  }
0x2a: {  	[sflag:s21] =	ssyncadd.s32 $0xFFFFE000  }
0x2b: {  	_ =	swait.ge [sflag:s21], $0x2000  }
0x2c: {  	[sflag:s21] =	ssyncset.done $0x0  }
0x2d: {  	s18 =	simm.s32 $0x0;
	[sflag:s21] =	ssyncadd.s32 $0xFFFFE000  }
0x2e: {  	v0 =	vld [tilespmem:s18+$0x148F0]  }
0x2f: {  	v1 =	vld [tilespmem:s18+$0x14800]  }
0x30: {  	v2 =	vld [tilespmem:s18+$0x14810]  }
0x31: {  	v3 =	vld [tilespmem:s18+$0x14820]  }
0x32: {  	v4 =	vld [tilespmem:s18+$0x14830]  }
0x33: {  	v5 =	vld [tilespmem:s18+$0x14840]  }
0x34: {  	v6 =	vld [tilespmem:s18+$0x14850]  }
0x35: {  	v7 =	vld [tilespmem:s18+$0x14860]  }
0x36: {  	v8 =	vld [tilespmem:s18+$0x14870]  }
0x37: {  	v9 =	vld [tilespmem:s18+$0x14880]  }
0x38: {  	v10 =	vld [tilespmem:s18+$0x14890]  }
0x39: {  	v11 =	vld [tilespmem:s18+$0x148A0]  }
0x3a: {  	v12 =	vld [tilespmem:s18+$0x148B0]  }
0x3b: {  	v13 =	vld [tilespmem:s18+$0x148C0]  }
0x3c: {  	v14 =	vld [tilespmem:s18+$0x148D0]  }
0x3d: {  	[tilespmem:s18+$0xC8F0] =	vst.add.f32.msk $0xffff, v0  }
0x3e: {  	v0 =	vld [tilespmem:s18+$0x148E0]  }
0x3f: {  	[tilespmem:s18+$0xC800] =	vst.add.f32.msk $0xffff, v1  }
0x40: {  	[tilespmem:s18+$0xC810] =	vst.add.f32.msk $0xffff, v2  }
0x41: {  	[tilespmem:s18+$0xC820] =	vst.add.f32.msk $0xffff, v3  }
0x42: {  	[tilespmem:s18+$0xC830] =	vst.add.f32.msk $0xffff, v4  }
0x43: {  	[tilespmem:s18+$0xC840] =	vst.add.f32.msk $0xffff, v5  }
0x44: {  	[tilespmem:s18+$0xC850] =	vst.add.f32.msk $0xffff, v6  }
0x45: {  	[tilespmem:s18+$0xC860] =	vst.add.f32.msk $0xffff, v7  }
0x46: {  	[tilespmem:s18+$0xC870] =	vst.add.f32.msk $0xffff, v8  }
0x47: {  	[tilespmem:s18+$0xC880] =	vst.add.f32.msk $0xffff, v9  }
0x48: {  	[tilespmem:s18+$0xC890] =	vst.add.f32.msk $0xffff, v10  }
0x49: {  	[tilespmem:s18+$0xC8A0] =	vst.add.f32.msk $0xffff, v11  }
0x4a: {  	[tilespmem:s18+$0xC8B0] =	vst.add.f32.msk $0xffff, v12  }
0x4b: {  	[tilespmem:s18+$0xC8C0] =	vst.add.f32.msk $0xffff, v13  }
0x4c: {  	s12 =	simm.s32 $0x0;
	s6 =	simm.s32 $0x400;
	[tilespmem:s18+$0xC8D0] =	vst.add.f32.msk $0xffff, v14  }
.LBB2_3:
0x4d: {  	s12 =	sadd.s32 $0x2, s12;
	[tilespmem:s18+$0xC8E0] =	vst.add.f32.msk $0xffff, v0;
	s18 =	sshra.s32 s6, $0x2  }
0x4e: {  	v0 =	vld [tilespmem:s18+$0x148F0];
	p1 =	slt.u32 s12, $0x3E  }
0x4f: {  	v1 =	vld [tilespmem:s18+$0x14800]  }
0x50: {  	v2 =	vld [tilespmem:s18+$0x14810]  }
0x51: {  	v3 =	vld [tilespmem:s18+$0x14820]  }
0x52: {  	v4 =	vld [tilespmem:s18+$0x14830]  }
0x53: {  	[tilespmem:s18+$0xC8F0] =	vst.add.f32.msk $0xffff, v0  }
0x54: {  	v5 =	vld [tilespmem:s18+$0x14840]  }
0x55: {  	v6 =	vld [tilespmem:s18+$0x14850]  }
0x56: {  	v7 =	vld [tilespmem:s18+$0x14860]  }
0x57: {  	v8 =	vld [tilespmem:s18+$0x14870]  }
0x58: {  	v9 =	vld [tilespmem:s18+$0x14880]  }
0x59: {  	v10 =	vld [tilespmem:s18+$0x14890]  }
0x5a: {  	v11 =	vld [tilespmem:s18+$0x148A0]  }
0x5b: {  	v12 =	vld [tilespmem:s18+$0x148B0]  }
0x5c: {  	v13 =	vld [tilespmem:s18+$0x148C0]  }
0x5d: {  	v14 =	vld [tilespmem:s18+$0x148D0]  }
0x5e: {  	v0 =	vld [tilespmem:s18+$0x148E0]  }
0x5f: {  	[tilespmem:s18+$0xC800] =	vst.add.f32.msk $0xffff, v1  }
0x60: {  	[tilespmem:s18+$0xC810] =	vst.add.f32.msk $0xffff, v2  }
0x61: {  	[tilespmem:s18+$0xC820] =	vst.add.f32.msk $0xffff, v3  }
0x62: {  	[tilespmem:s18+$0xC830] =	vst.add.f32.msk $0xffff, v4  }
0x63: {  	[tilespmem:s18+$0xC840] =	vst.add.f32.msk $0xffff, v5  }
0x64: {  	[tilespmem:s18+$0xC850] =	vst.add.f32.msk $0xffff, v6  }
0x65: {  	[tilespmem:s18+$0xC860] =	vst.add.f32.msk $0xffff, v7  }
0x66: {  	[tilespmem:s18+$0xC870] =	vst.add.f32.msk $0xffff, v8  }
0x67: {  	[tilespmem:s18+$0xC880] =	vst.add.f32.msk $0xffff, v9  }
.Ltmp0:
0x68: {  	[tilespmem:s18+$0xC890] =	vst.add.f32.msk $0xffff, v10;
	(pc) =	sbr.rel @p1 .LBB2_3-.Ltmp0, $4  }
0x69: {  	[tilespmem:s18+$0xC8A0] =	vst.add.f32.msk $0xffff, v11  }
0x6a: {  	[tilespmem:s18+$0xC8B0] =	vst.add.f32.msk $0xffff, v12  }
0x6b: {  	[tilespmem:s18+$0xC8C0] =	vst.add.f32.msk $0xffff, v13  }
0x6c: {  	s6 =	sadd.s32 $0x400, s6;
	[tilespmem:s18+$0xC8D0] =	vst.add.f32.msk $0xffff, v14  }
0x6d: {  	s6 =	sshll.u32 s0, $0xF  }
0x6e: {  	s6 =	sadd.s32 s8, s6  }
0x6f: {  	s6 =	sshrl.u32 s6, $0x3  }
0x70: {  	[tilespmem:s18+$0xC8E0] =	vst.add.f32.msk $0xffff, v0;
	s6 =	sadd.s32 s2, s6  }
0x71: {  	[hbm4b:s6+s3] =	stream.linear.scatter [tilespmem:s14], [sflag:$0x5], $0x2000, $0x38;
	[tilespmem:$0x1C800] =	vst v63  }
0x72: {  	s6 =	simm.s32 @!p0 $0x8  }
0x73: {  	_ =	swait.ge @!p0 [sflag:s6], $0x2000  }
0x74: {  	s15 =	sor.u32 $0x3, s15;
	[sflag:s6] =	ssyncset.done @!p0 $0x0  }
0x75: {  	s18 =	sshll.u32 s15, $0x6;
	[sflag:s6] =	ssyncadd.s32 @!p0 $0xFFFFE000  }
0x76: {  	[tilespmem:s22], [sflag:$0x4] =	stream.indirect.gather [hbm4b:s4+s13], $0x80, s18, s13, $0xb8;
	[tilespmem:$0x1C800] =	vst v63  }
0x77: {  	s6 =	sadd.s32 $0x6400, s18  }
0x78: {  	[tilespmem:s23], [sflag:$0x4] =	stream.indirect.gather [hbm4b:s5+s13], $0x80, s6, s13, $0xb8;
	[tilespmem:$0x1C800] =	vst v63  }
0x79: {  	_ =	swait.ge [sflag:s24], $0x2000  }
0x7a: {  	[sflag:s24] =	ssyncset.done $0x0  }
0x7b: {  	[sflag:s24] =	ssyncadd.s32 $0xFFFFE000  }
0x7c: {  	_ =	swait.ge [sflag:s24], $0x2000  }
0x7d: {  	[sflag:s24] =	ssyncset.done $0x0  }
0x7e: {  	s12 =	simm.s32 $0x0;
	[sflag:s24] =	ssyncadd.s32 $0xFFFFE000  }
0x7f: {  	v0 =	vld [tilespmem:s12+$0x168F0]  }
0x80: {  	v1 =	vld [tilespmem:s12+$0x16800]  }
0x81: {  	v2 =	vld [tilespmem:s12+$0x16810]  }
0x82: {  	v3 =	vld [tilespmem:s12+$0x16820]  }
0x83: {  	v4 =	vld [tilespmem:s12+$0x16830]  }
0x84: {  	v5 =	vld [tilespmem:s12+$0x16840]  }
0x85: {  	v6 =	vld [tilespmem:s12+$0x16850]  }
0x86: {  	v7 =	vld [tilespmem:s12+$0x16860]  }
0x87: {  	v8 =	vld [tilespmem:s12+$0x16870]  }
0x88: {  	v9 =	vld [tilespmem:s12+$0x16880]  }
0x89: {  	v10 =	vld [tilespmem:s12+$0x16890]  }
0x8a: {  	v11 =	vld [tilespmem:s12+$0x168A0]  }
0x8b: {  	v12 =	vld [tilespmem:s12+$0x168B0]  }
0x8c: {  	v13 =	vld [tilespmem:s12+$0x168C0]  }
0x8d: {  	v14 =	vld [tilespmem:s12+$0x168D0]  }
0x8e: {  	[tilespmem:s12+$0xE8F0] =	vst.add.f32.msk $0xffff, v0  }
0x8f: {  	v0 =	vld [tilespmem:s12+$0x168E0]  }
0x90: {  	[tilespmem:s12+$0xE800] =	vst.add.f32.msk $0xffff, v1  }
0x91: {  	[tilespmem:s12+$0xE810] =	vst.add.f32.msk $0xffff, v2  }
0x92: {  	[tilespmem:s12+$0xE820] =	vst.add.f32.msk $0xffff, v3  }
0x93: {  	[tilespmem:s12+$0xE830] =	vst.add.f32.msk $0xffff, v4  }
0x94: {  	[tilespmem:s12+$0xE840] =	vst.add.f32.msk $0xffff, v5  }
0x95: {  	[tilespmem:s12+$0xE850] =	vst.add.f32.msk $0xffff, v6  }
0x96: {  	[tilespmem:s12+$0xE860] =	vst.add.f32.msk $0xffff, v7  }
0x97: {  	[tilespmem:s12+$0xE870] =	vst.add.f32.msk $0xffff, v8  }
0x98: {  	[tilespmem:s12+$0xE880] =	vst.add.f32.msk $0xffff, v9  }
0x99: {  	[tilespmem:s12+$0xE890] =	vst.add.f32.msk $0xffff, v10  }
0x9a: {  	[tilespmem:s12+$0xE8A0] =	vst.add.f32.msk $0xffff, v11  }
0x9b: {  	[tilespmem:s12+$0xE8B0] =	vst.add.f32.msk $0xffff, v12  }
0x9c: {  	[tilespmem:s12+$0xE8C0] =	vst.add.f32.msk $0xffff, v13  }
0x9d: {  	s18 =	simm.s32 $0x0;
	s6 =	simm.s32 $0x400;
	[tilespmem:s12+$0xE8D0] =	vst.add.f32.msk $0xffff, v14  }
.LBB2_5:
0x9e: {  	s18 =	sadd.s32 $0x2, s18;
	[tilespmem:s12+$0xE8E0] =	vst.add.f32.msk $0xffff, v0;
	s12 =	sshra.s32 s6, $0x2  }
0x9f: {  	v0 =	vld [tilespmem:s12+$0x168F0];
	p0 =	slt.u32 s18, $0x3E  }
0xa0: {  	v1 =	vld [tilespmem:s12+$0x16800]  }
0xa1: {  	v2 =	vld [tilespmem:s12+$0x16810]  }
0xa2: {  	v3 =	vld [tilespmem:s12+$0x16820]  }
0xa3: {  	v4 =	vld [tilespmem:s12+$0x16830]  }
0xa4: {  	[tilespmem:s12+$0xE8F0] =	vst.add.f32.msk $0xffff, v0  }
0xa5: {  	v5 =	vld [tilespmem:s12+$0x16840]  }
0xa6: {  	v6 =	vld [tilespmem:s12+$0x16850]  }
0xa7: {  	v7 =	vld [tilespmem:s12+$0x16860]  }
0xa8: {  	v8 =	vld [tilespmem:s12+$0x16870]  }
0xa9: {  	v9 =	vld [tilespmem:s12+$0x16880]  }
0xaa: {  	v10 =	vld [tilespmem:s12+$0x16890]  }
0xab: {  	v11 =	vld [tilespmem:s12+$0x168A0]  }
0xac: {  	v12 =	vld [tilespmem:s12+$0x168B0]  }
0xad: {  	v13 =	vld [tilespmem:s12+$0x168C0]  }
0xae: {  	v14 =	vld [tilespmem:s12+$0x168D0]  }
0xaf: {  	v0 =	vld [tilespmem:s12+$0x168E0]  }
0xb0: {  	[tilespmem:s12+$0xE800] =	vst.add.f32.msk $0xffff, v1  }
0xb1: {  	[tilespmem:s12+$0xE810] =	vst.add.f32.msk $0xffff, v2  }
0xb2: {  	[tilespmem:s12+$0xE820] =	vst.add.f32.msk $0xffff, v3  }
0xb3: {  	[tilespmem:s12+$0xE830] =	vst.add.f32.msk $0xffff, v4  }
0xb4: {  	[tilespmem:s12+$0xE840] =	vst.add.f32.msk $0xffff, v5  }
0xb5: {  	[tilespmem:s12+$0xE850] =	vst.add.f32.msk $0xffff, v6  }
0xb6: {  	[tilespmem:s12+$0xE860] =	vst.add.f32.msk $0xffff, v7  }
0xb7: {  	[tilespmem:s12+$0xE870] =	vst.add.f32.msk $0xffff, v8  }
0xb8: {  	[tilespmem:s12+$0xE880] =	vst.add.f32.msk $0xffff, v9  }
.Ltmp1:
0xb9: {  	[tilespmem:s12+$0xE890] =	vst.add.f32.msk $0xffff, v10;
	(pc) =	sbr.rel @p0 .LBB2_5-.Ltmp1, $4  }
0xba: {  	[tilespmem:s12+$0xE8A0] =	vst.add.f32.msk $0xffff, v11  }
0xbb: {  	[tilespmem:s12+$0xE8B0] =	vst.add.f32.msk $0xffff, v12  }
0xbc: {  	[tilespmem:s12+$0xE8C0] =	vst.add.f32.msk $0xffff, v13  }
0xbd: {  	s6 =	sadd.s32 $0x400, s6;
	[tilespmem:s12+$0xE8D0] =	vst.add.f32.msk $0xffff, v14  }
0xbe: {  	s18 =	sshll.u32 s0, $0x8  }
0xbf: {  	s6 =	sadd.s32 s18, s9  }
0xc0: {  	s6 =	sshll.u32 s6, $0x4  }
0xc1: {  	[tilespmem:s12+$0xE8E0] =	vst.add.f32.msk $0xffff, v0;
	p0 =	seq.s32 s0, $0x63;
	s6 =	sadd.s32 s2, s6  }
0xc2: {  	[hbm4b:s6+s3] =	stream.linear.scatter [tilespmem:s16], [sflag:$0x6], $0x2000, $0x38;
	[tilespmem:$0x1C800] =	vst v63  }
0xc3: {  	s6 =	simm.s32 @!p0 $0x5  }
0xc4: {  	_ =	swait.ge @!p0 [sflag:s6], $0x2000  }
0xc5: {  	s7 =	simm.s32 @!p0 $0x40;
	[sflag:s6] =	ssyncset.done @!p0 $0x0  }
0xc6: {  	s12 =	simm.s32 @!p0 $0xC800;
	[sflag:s6] =	ssyncadd.s32 @!p0 $0xFFFFE000;
	s6 =	sadd.s32 @!p0 $0x100, s18  }
0xc7: {  	[tilespmem:s12], [sflag:$0x1] =	stream.indirect.gather @!p0 [hbm4b:s4+s7], $0x80, s6, s7, $0xb8;
	[tilespmem:$0x1C800] =	vst v63  }
0xc8: {  	s6 =	sadd.s32 @!p0 $0x6500, s18;
	s12 =	simm.s32 @!p0 $0x14800  }
0xc9: {  	[tilespmem:s12], [sflag:$0x1] =	stream.indirect.gather @!p0 [hbm4b:s5+s7], $0x80, s6, s7, $0xb8;
	[tilespmem:$0x1C800] =	vst v63  }
0xca: {  	_ =	swait.ge [sflag:s25], $0x2000  }
0xcb: {  	[sflag:s25] =	ssyncset.done $0x0  }
0xcc: {  	[sflag:s25] =	ssyncadd.s32 $0xFFFFE000  }
0xcd: {  	_ =	swait.ge [sflag:s25], $0x2000  }
0xce: {  	[sflag:s25] =	ssyncset.done $0x0  }
0xcf: {  	s12 =	simm.s32 $0x0;
	[sflag:s25] =	ssyncadd.s32 $0xFFFFE000  }
0xd0: {  	v0 =	vld [tilespmem:s12+$0x188F0]  }
0xd1: {  	v1 =	vld [tilespmem:s12+$0x18800]  }
0xd2: {  	v2 =	vld [tilespmem:s12+$0x18810]  }
0xd3: {  	v3 =	vld [tilespmem:s12+$0x18820]  }
0xd4: {  	v4 =	vld [tilespmem:s12+$0x18830]  }
0xd5: {  	v5 =	vld [tilespmem:s12+$0x18840]  }
0xd6: {  	v6 =	vld [tilespmem:s12+$0x18850]  }
0xd7: {  	v7 =	vld [tilespmem:s12+$0x18860]  }
0xd8: {  	v8 =	vld [tilespmem:s12+$0x18870]  }
0xd9: {  	v9 =	vld [tilespmem:s12+$0x18880]  }
0xda: {  	v10 =	vld [tilespmem:s12+$0x18890]  }
0xdb: {  	v11 =	vld [tilespmem:s12+$0x188A0]  }
0xdc: {  	v12 =	vld [tilespmem:s12+$0x188B0]  }
0xdd: {  	v13 =	vld [tilespmem:s12+$0x188C0]  }
0xde: {  	v14 =	vld [tilespmem:s12+$0x188D0]  }
0xdf: {  	[tilespmem:s12+$0x108F0] =	vst.add.f32.msk $0xffff, v0  }
0xe0: {  	v0 =	vld [tilespmem:s12+$0x188E0]  }
0xe1: {  	[tilespmem:s12+$0x10800] =	vst.add.f32.msk $0xffff, v1  }
0xe2: {  	[tilespmem:s12+$0x10810] =	vst.add.f32.msk $0xffff, v2  }
0xe3: {  	[tilespmem:s12+$0x10820] =	vst.add.f32.msk $0xffff, v3  }
0xe4: {  	[tilespmem:s12+$0x10830] =	vst.add.f32.msk $0xffff, v4  }
0xe5: {  	[tilespmem:s12+$0x10840] =	vst.add.f32.msk $0xffff, v5  }
0xe6: {  	[tilespmem:s12+$0x10850] =	vst.add.f32.msk $0xffff, v6  }
0xe7: {  	[tilespmem:s12+$0x10860] =	vst.add.f32.msk $0xffff, v7  }
0xe8: {  	[tilespmem:s12+$0x10870] =	vst.add.f32.msk $0xffff, v8  }
0xe9: {  	[tilespmem:s12+$0x10880] =	vst.add.f32.msk $0xffff, v9  }
0xea: {  	[tilespmem:s12+$0x10890] =	vst.add.f32.msk $0xffff, v10  }
0xeb: {  	[tilespmem:s12+$0x108A0] =	vst.add.f32.msk $0xffff, v11  }
0xec: {  	[tilespmem:s12+$0x108B0] =	vst.add.f32.msk $0xffff, v12  }
0xed: {  	[tilespmem:s12+$0x108C0] =	vst.add.f32.msk $0xffff, v13  }
0xee: {  	s6 =	simm.s32 $0x0;
	s7 =	simm.s32 $0x400;
	[tilespmem:s12+$0x108D0] =	vst.add.f32.msk $0xffff, v14  }
.LBB2_7:
0xef: {  	s6 =	sadd.s32 $0x2, s6;
	[tilespmem:s12+$0x108E0] =	vst.add.f32.msk $0xffff, v0;
	s12 =	sshra.s32 s7, $0x2  }
0xf0: {  	v0 =	vld [tilespmem:s12+$0x188F0];
	p1 =	slt.u32 s6, $0x3E  }
0xf1: {  	v1 =	vld [tilespmem:s12+$0x18800]  }
0xf2: {  	v2 =	vld [tilespmem:s12+$0x18810]  }
0xf3: {  	v3 =	vld [tilespmem:s12+$0x18820]  }
0xf4: {  	v4 =	vld [tilespmem:s12+$0x18830]  }
0xf5: {  	[tilespmem:s12+$0x108F0] =	vst.add.f32.msk $0xffff, v0  }
0xf6: {  	v5 =	vld [tilespmem:s12+$0x18840]  }
0xf7: {  	v6 =	vld [tilespmem:s12+$0x18850]  }
0xf8: {  	v7 =	vld [tilespmem:s12+$0x18860]  }
0xf9: {  	v8 =	vld [tilespmem:s12+$0x18870]  }
0xfa: {  	v9 =	vld [tilespmem:s12+$0x18880]  }
0xfb: {  	v10 =	vld [tilespmem:s12+$0x18890]  }
0xfc: {  	v11 =	vld [tilespmem:s12+$0x188A0]  }
0xfd: {  	v12 =	vld [tilespmem:s12+$0x188B0]  }
0xfe: {  	v13 =	vld [tilespmem:s12+$0x188C0]  }
0xff: {  	v14 =	vld [tilespmem:s12+$0x188D0]  }
0x100: {  	v0 =	vld [tilespmem:s12+$0x188E0]  }
0x101: {  	[tilespmem:s12+$0x10800] =	vst.add.f32.msk $0xffff, v1  }
0x102: {  	[tilespmem:s12+$0x10810] =	vst.add.f32.msk $0xffff, v2  }
0x103: {  	[tilespmem:s12+$0x10820] =	vst.add.f32.msk $0xffff, v3  }
0x104: {  	[tilespmem:s12+$0x10830] =	vst.add.f32.msk $0xffff, v4  }
0x105: {  	[tilespmem:s12+$0x10840] =	vst.add.f32.msk $0xffff, v5  }
0x106: {  	[tilespmem:s12+$0x10850] =	vst.add.f32.msk $0xffff, v6  }
0x107: {  	[tilespmem:s12+$0x10860] =	vst.add.f32.msk $0xffff, v7  }
0x108: {  	[tilespmem:s12+$0x10870] =	vst.add.f32.msk $0xffff, v8  }
0x109: {  	[tilespmem:s12+$0x10880] =	vst.add.f32.msk $0xffff, v9  }
.Ltmp2:
0x10a: {  	[tilespmem:s12+$0x10890] =	vst.add.f32.msk $0xffff, v10;
	(pc) =	sbr.rel @p1 .LBB2_7-.Ltmp2, $4  }
0x10b: {  	[tilespmem:s12+$0x108A0] =	vst.add.f32.msk $0xffff, v11  }
0x10c: {  	[tilespmem:s12+$0x108B0] =	vst.add.f32.msk $0xffff, v12  }
0x10d: {  	[tilespmem:s12+$0x108C0] =	vst.add.f32.msk $0xffff, v13  }
0x10e: {  	s7 =	sadd.s32 $0x400, s7;
	[tilespmem:s12+$0x108D0] =	vst.add.f32.msk $0xffff, v14  }
0x10f: {  	s6 =	sshll.u32 s17, $0xD  }
0x110: {  	s6 =	sadd.s32 s8, s6  }
0x111: {  	s6 =	sshrl.u32 s6, $0x3  }
0x112: {  	[tilespmem:s12+$0x108E0] =	vst.add.f32.msk $0xffff, v0;
	s6 =	sadd.s32 s2, s6  }
0x113: {  	[hbm4b:s6+s3] =	stream.linear.scatter [tilespmem:s19], [sflag:$0x7], $0x2000, $0x38;
	[tilespmem:$0x1C800] =	vst v63  }
0x114: {  	s6 =	simm.s32 @!p0 $0x6  }
0x115: {  	_ =	swait.ge @!p0 [sflag:s6], $0x2000  }
0x116: {  	s7 =	simm.s32 @!p0 $0x40;
	[sflag:s6] =	ssyncset.done @!p0 $0x0  }
0x117: {  	s12 =	simm.s32 @!p0 $0xE800;
	[sflag:s6] =	ssyncadd.s32 @!p0 $0xFFFFE000;
	s6 =	sadd.s32 @!p0 $0x140, s18  }
0x118: {  	[tilespmem:s12], [sflag:$0x2] =	stream.indirect.gather @!p0 [hbm4b:s4+s7], $0x80, s6, s7, $0xb8;
	[tilespmem:$0x1C800] =	vst v63  }
0x119: {  	s6 =	sadd.s32 @!p0 $0x6540, s18;
	s12 =	simm.s32 @!p0 $0x16800  }
0x11a: {  	[tilespmem:s12], [sflag:$0x2] =	stream.indirect.gather @!p0 [hbm4b:s5+s7], $0x80, s6, s7, $0xb8;
	[tilespmem:$0x1C800] =	vst v63  }
0x11b: {  	_ =	swait.ge [sflag:s26], $0x2000  }
0x11c: {  	[sflag:s26] =	ssyncset.done $0x0  }
0x11d: {  	[sflag:s26] =	ssyncadd.s32 $0xFFFFE000  }
0x11e: {  	_ =	swait.ge [sflag:s26], $0x2000  }
0x11f: {  	[sflag:s26] =	ssyncset.done $0x0  }
0x120: {  	s12 =	simm.s32 $0x0;
	[sflag:s26] =	ssyncadd.s32 $0xFFFFE000  }
0x121: {  	v0 =	vld [tilespmem:s12+$0x1A8F0]  }
0x122: {  	v1 =	vld [tilespmem:s12+$0x1A800]  }
0x123: {  	v2 =	vld [tilespmem:s12+$0x1A810]  }
0x124: {  	v3 =	vld [tilespmem:s12+$0x1A820]  }
0x125: {  	v4 =	vld [tilespmem:s12+$0x1A830]  }
0x126: {  	v5 =	vld [tilespmem:s12+$0x1A840]  }
0x127: {  	v6 =	vld [tilespmem:s12+$0x1A850]  }
0x128: {  	v7 =	vld [tilespmem:s12+$0x1A860]  }
0x129: {  	v8 =	vld [tilespmem:s12+$0x1A870]  }
0x12a: {  	v9 =	vld [tilespmem:s12+$0x1A880]  }
0x12b: {  	v10 =	vld [tilespmem:s12+$0x1A890]  }
0x12c: {  	v11 =	vld [tilespmem:s12+$0x1A8A0]  }
0x12d: {  	v12 =	vld [tilespmem:s12+$0x1A8B0]  }
0x12e: {  	v13 =	vld [tilespmem:s12+$0x1A8C0]  }
0x12f: {  	v14 =	vld [tilespmem:s12+$0x1A8D0]  }
0x130: {  	[tilespmem:s12+$0x128F0] =	vst.add.f32.msk $0xffff, v0  }
0x131: {  	v0 =	vld [tilespmem:s12+$0x1A8E0]  }
0x132: {  	[tilespmem:s12+$0x12800] =	vst.add.f32.msk $0xffff, v1  }
0x133: {  	[tilespmem:s12+$0x12810] =	vst.add.f32.msk $0xffff, v2  }
0x134: {  	[tilespmem:s12+$0x12820] =	vst.add.f32.msk $0xffff, v3  }
0x135: {  	[tilespmem:s12+$0x12830] =	vst.add.f32.msk $0xffff, v4  }
0x136: {  	[tilespmem:s12+$0x12840] =	vst.add.f32.msk $0xffff, v5  }
0x137: {  	[tilespmem:s12+$0x12850] =	vst.add.f32.msk $0xffff, v6  }
0x138: {  	[tilespmem:s12+$0x12860] =	vst.add.f32.msk $0xffff, v7  }
0x139: {  	[tilespmem:s12+$0x12870] =	vst.add.f32.msk $0xffff, v8  }
0x13a: {  	[tilespmem:s12+$0x12880] =	vst.add.f32.msk $0xffff, v9  }
0x13b: {  	[tilespmem:s12+$0x12890] =	vst.add.f32.msk $0xffff, v10  }
0x13c: {  	[tilespmem:s12+$0x128A0] =	vst.add.f32.msk $0xffff, v11  }
0x13d: {  	[tilespmem:s12+$0x128B0] =	vst.add.f32.msk $0xffff, v12  }
0x13e: {  	[tilespmem:s12+$0x128C0] =	vst.add.f32.msk $0xffff, v13  }
0x13f: {  	s6 =	simm.s32 $0x0;
	s7 =	simm.s32 $0x400;
	[tilespmem:s12+$0x128D0] =	vst.add.f32.msk $0xffff, v14  }
.LBB2_9:
0x140: {  	s6 =	sadd.s32 $0x2, s6;
	[tilespmem:s12+$0x128E0] =	vst.add.f32.msk $0xffff, v0;
	s12 =	sshra.s32 s7, $0x2  }
0x141: {  	v0 =	vld [tilespmem:s12+$0x1A8F0];
	p0 =	slt.u32 s6, $0x3E  }
0x142: {  	v1 =	vld [tilespmem:s12+$0x1A800]  }
0x143: {  	v2 =	vld [tilespmem:s12+$0x1A810]  }
0x144: {  	v3 =	vld [tilespmem:s12+$0x1A820]  }
0x145: {  	v4 =	vld [tilespmem:s12+$0x1A830]  }
0x146: {  	[tilespmem:s12+$0x128F0] =	vst.add.f32.msk $0xffff, v0  }
0x147: {  	v5 =	vld [tilespmem:s12+$0x1A840]  }
0x148: {  	v6 =	vld [tilespmem:s12+$0x1A850]  }
0x149: {  	v7 =	vld [tilespmem:s12+$0x1A860]  }
0x14a: {  	v8 =	vld [tilespmem:s12+$0x1A870]  }
0x14b: {  	v9 =	vld [tilespmem:s12+$0x1A880]  }
0x14c: {  	v10 =	vld [tilespmem:s12+$0x1A890]  }
0x14d: {  	v11 =	vld [tilespmem:s12+$0x1A8A0]  }
0x14e: {  	v12 =	vld [tilespmem:s12+$0x1A8B0]  }
0x14f: {  	v13 =	vld [tilespmem:s12+$0x1A8C0]  }
0x150: {  	v14 =	vld [tilespmem:s12+$0x1A8D0]  }
0x151: {  	v0 =	vld [tilespmem:s12+$0x1A8E0]  }
0x152: {  	[tilespmem:s12+$0x12800] =	vst.add.f32.msk $0xffff, v1  }
0x153: {  	[tilespmem:s12+$0x12810] =	vst.add.f32.msk $0xffff, v2  }
0x154: {  	[tilespmem:s12+$0x12820] =	vst.add.f32.msk $0xffff, v3  }
0x155: {  	[tilespmem:s12+$0x12830] =	vst.add.f32.msk $0xffff, v4  }
0x156: {  	[tilespmem:s12+$0x12840] =	vst.add.f32.msk $0xffff, v5  }
0x157: {  	[tilespmem:s12+$0x12850] =	vst.add.f32.msk $0xffff, v6  }
0x158: {  	[tilespmem:s12+$0x12860] =	vst.add.f32.msk $0xffff, v7  }
0x159: {  	[tilespmem:s12+$0x12870] =	vst.add.f32.msk $0xffff, v8  }
0x15a: {  	[tilespmem:s12+$0x12880] =	vst.add.f32.msk $0xffff, v9  }
.Ltmp3:
0x15b: {  	[tilespmem:s12+$0x12890] =	vst.add.f32.msk $0xffff, v10;
	(pc) =	sbr.rel @p0 .LBB2_9-.Ltmp3, $4  }
0x15c: {  	[tilespmem:s12+$0x128A0] =	vst.add.f32.msk $0xffff, v11  }
0x15d: {  	[tilespmem:s12+$0x128B0] =	vst.add.f32.msk $0xffff, v12  }
0x15e: {  	[tilespmem:s12+$0x128C0] =	vst.add.f32.msk $0xffff, v13  }
0x15f: {  	s7 =	sadd.s32 $0x400, s7;
	[tilespmem:s12+$0x128D0] =	vst.add.f32.msk $0xffff, v14  }
0x160: {  	s0 =	sadd.s32 $0x1, s0  }
0x161: {  	p0 =	sne.s32 s0, $0x64  }
.Ltmp4:
0x162: {  	s6 =	sshll.u32 s15, $0xD;
	(pc) =	sbr.rel @p0 .LBB2_2-.Ltmp4, $4  }
0x163: {  	s6 =	sadd.s32 s8, s6  }
0x164: {  	s6 =	sshrl.u32 s6, $0x3  }
0x165: {  	[tilespmem:s12+$0x128E0] =	vst.add.f32.msk $0xffff, v0;
	s6 =	sadd.s32 s2, s6  }
0x166: {  	[hbm4b:s6+s3] =	stream.linear.scatter [tilespmem:s22], [sflag:$0x8], $0x2000, $0x38;
	[tilespmem:$0x1C800] =	vst v63  }
0x167: {  	_ =	swait.ge [sflag:s28], $0x2000  }
0x168: {  	[sflag:s28] =	ssyncset.done $0x0  }
0x169: {  	[sflag:s28] =	ssyncadd.s32 $0xFFFFE000  }
0x16a: {  	_ =	swait.ge [sflag:s29], $0x2000  }
0x16b: {  	[sflag:s29] =	ssyncset.done $0x0  }
0x16c: {  	s1 =	sadd.s32 $0x1, s1;
	[sflag:s29] =	ssyncadd.s32 $0xFFFFE000  }
0x16d: {  	p0 =	sne.s32 s1, s10;
	_ =	swait.ge [sflag:s30], $0x2000  }
.Ltmp5:
0x16e: {  	[sflag:s30] =	ssyncset.done $0x0;
	(pc) =	sbr.rel @p0 .LBB2_1-.Ltmp5, $4  }
0x16f: {  	[sflag:s30] =	ssyncadd.s32 $0xFFFFE000  }
0x170: {  	_ =	swait.ge [sflag:s31], $0x2000  }
0x171: {  	[sflag:s31] =	ssyncset.done $0x0  }
0x172: {  	[sflag:s31] =	ssyncadd.s32 $0xFFFFE000  }
0x173: {  	_ =	sfence.sel $0x180000  }
0x174: {  	[bflag:$0x0] =	sbarrier.arrive $0xFFFF  }
0x175: {  	_ =	strace $0x90000047  }
0x176: {  	s0 =	stileid.u32;
	[bflag:$0x2] =	sbarrier.arrive $0xFFFF  }
0x177: {  	p0 =	sne.s32 s0, $0x0;
	s0 =	rddreg [dreg:$0x2]  }
0x178: {  	s0 =	sadd.s32 @!p0 $0x100000, s0  }
0x179: {  	[sflag:s0] =	ssyncadd.tile.s32 @!p0 $0x1;
	_ =	shalt  }
.Lfunc_end2:
_tile_overlayer_lowered:
.L_overlay_start_2:
0x17a: {  	(tag) =	ssettag $0x2  }
0x17b: {  	s0 =	rddreg [dreg:$0x0];
	s2 =	stileid.u32  }
0x17c: {  	s1 =	rddreg [dreg:$0x1];
	p0 =	sne.s32 s2, $0x0  }
0x17d: {  	s3 =	rddreg [dreg:$0x2];
	[bflag:$0x3] =	sbarrier.arrive $0xFFFF;
	s2 =	simm.s32 @!p0 $0x1C09  }
0x17e: {  	[timem:s3], [sflag:s2] =	dma.local @!p0 [hbm:s0], s1  }
0x17f: {  	s0 =	simm.s32 @!p0 $0x9  }
0x180: {  	_ =	swait.ge @!p0 [sflag:s0], s1  }
0x181: {  	s1 =	ssub.s32 @!p0 $0x0, s1;
	[sflag:s0] =	ssyncset.done @!p0 $0x0  }
0x182: {  	[sflag:s0] =	ssyncadd.s32 @!p0 s1  }
0x183: {  	[bflag:$0x3] =	sbarrier.arrive $0xFFFF  }
0x184: {  	_ =	shalt  }

</sc_bundles>
